<compile_context>
chip_gen: v7x
topology: tpu7x:2x2x1
jax: 0.10.2.dev20260603
libtpu: 0.0.44.dev20260713+nightly
codegen_flags: <defaults>
</compile_context>

<pallas_src>
import functools

import jax
import jax.numpy as jnp
from jax import lax
from jax.experimental import pallas as pl
from jax.experimental.pallas import tpu as pltpu
from jax.experimental.pallas import tpu_sc as plsc

NC = 2
NS = 16
NW = NC * NS
K = 128


def _matmul_call(x_pad, W, bm):
    n_pad, d_in = x_pad.shape
    d_out = W.shape[1]

    def body(x_ref, w_ref, o_ref):
        o_ref[...] = jnp.dot(x_ref[...], w_ref[...],
                             preferred_element_type=jnp.float32)

    return pl.pallas_call(
        body,
        grid=(n_pad // bm,),
        in_specs=[
            pl.BlockSpec((bm, d_in), lambda i: (i, 0)),
            pl.BlockSpec((d_in, d_out), lambda i: (0, 0)),
        ],
        out_specs=pl.BlockSpec((bm, d_out), lambda i: (i, 0)),
        out_shape=jax.ShapeDtypeStruct((n_pad, d_out), jnp.float32),
    )(x_pad, W)


def _finalize_call(p, cnt, b2, bm):
    _, n_pad, d = p.shape

    def body(p_ref, c_ref, b_ref, o_ref):
        s = p_ref[0] + p_ref[1]
        deg = c_ref[0, :, 0:1] + c_ref[1, :, 0:1] - 1.0
        o_ref[...] = s * (1.0 / deg) + b_ref[...]

    return pl.pallas_call(
        body,
        grid=(n_pad // bm,),
        in_specs=[
            pl.BlockSpec((2, bm, d), lambda i: (0, i, 0)),
            pl.BlockSpec((2, bm, d), lambda i: (0, i, 0)),
            pl.BlockSpec((1, d), lambda i: (0, 0)),
        ],
        out_specs=pl.BlockSpec((bm, d), lambda i: (i, 0)),
        out_shape=jax.ShapeDtypeStruct((n_pad, d), jnp.float32),
    )(p, cnt, b2)


def _sc_aggregate(h_pad, src2, dst2, zrow, ones128, iota, n_pad, d, n_chunks):
    rpt = n_pad // NS
    n_full, rem = divmod(rpt, K)
    mesh = plsc.VectorSubcoreMesh(core_axis_name="c", subcore_axis_name="s")

    scratch = [
        pltpu.VMEM_SHARED((n_pad, d), jnp.float32),
        pltpu.VMEM((K, d), jnp.float32),
        pltpu.VMEM((K,), jnp.int32),
        pltpu.VMEM((K,), jnp.int32),
    ]
    if rem:
        scratch.append(pltpu.VMEM((rem,), jnp.int32))

    @functools.partial(
        pl.kernel,
        out_type=[
            jax.ShapeDtypeStruct((NC * n_pad, d), jnp.float32),
            jax.ShapeDtypeStruct((NC * n_pad, d), jnp.float32),
        ],
        mesh=mesh,
        scratch_types=scratch,
    )
    def call(h_hbm, src_hbm, dst_hbm, zrow_hbm, ones_hbm, iota_hbm,
             p_hbm, cnt_hbm, acc, rows, idxb, sidxb, *idxr_opt):
        idxr = idxr_opt[0] if idxr_opt else None
        cid = lax.axis_index("c")
        sid = lax.axis_index("s")
        wid = cid * NS + sid
        rs = sid * rpt

        def scatter_slice_from_rows(seed_h):
            def body(c, carry):
                off = rs + c * K
                pltpu.sync_copy(iota_hbm.at[pl.ds(off, K)], idxb)
                if seed_h:
                    @pl.when(cid == 0)
                    def _():
                        pltpu.sync_copy(h_hbm.at[pl.ds(off, K)], rows)
                pltpu.sync_copy(rows, acc.at[idxb])
                return carry

            lax.fori_loop(0, n_full, body, 0)
            if rem:
                off = rs + n_full * K
                pltpu.sync_copy(iota_hbm.at[pl.ds(off, rem)], idxr)
                if seed_h:
                    @pl.when(cid == 0)
                    def _():
                        pltpu.sync_copy(h_hbm.at[pl.ds(off, rem)],
                                        rows.at[pl.ds(0, rem)])
                pltpu.sync_copy(rows.at[pl.ds(0, rem)], acc.at[idxr])

        def drain_slice_to(out_hbm):
            def body(c, carry):
                off = rs + c * K
                pltpu.sync_copy(iota_hbm.at[pl.ds(off, K)], idxb)
                pltpu.sync_copy(acc.at[idxb], rows)
                pltpu.sync_copy(rows, out_hbm.at[pl.ds(cid * n_pad + off, K)])
                return carry

            lax.fori_loop(0, n_full, body, 0)
            if rem:
                off = rs + n_full * K
                pltpu.sync_copy(iota_hbm.at[pl.ds(off, rem)], idxr)
                pltpu.sync_copy(acc.at[idxr], rows.at[pl.ds(0, rem)])
                pltpu.sync_copy(rows.at[pl.ds(0, rem)],
                                out_hbm.at[pl.ds(cid * n_pad + off, rem)])

        pltpu.sync_copy(ones_hbm, rows)
        scatter_slice_from_rows(seed_h=False)
        plsc.subcore_barrier()

        def count_chunk(c, carry):
            pltpu.sync_copy(dst_hbm.at[wid * n_chunks + c], idxb)
            pltpu.sync_copy(rows, acc.at[idxb], add=True)
            return carry

        lax.fori_loop(0, n_chunks, count_chunk, 0)
        plsc.subcore_barrier()
        drain_slice_to(cnt_hbm)
        plsc.subcore_barrier()

        @pl.when(cid != 0)
        def _():
            pltpu.sync_copy(zrow_hbm, rows)

        scatter_slice_from_rows(seed_h=True)
        plsc.subcore_barrier()

        def edge_chunk(c, carry):
            flat = wid * n_chunks + c
            pltpu.sync_copy(src_hbm.at[flat], sidxb)
            pltpu.sync_copy(dst_hbm.at[flat], idxb)
            pltpu.sync_copy(h_hbm.at[sidxb], rows)
            pltpu.sync_copy(rows, acc.at[idxb], add=True)
            return carry

        lax.fori_loop(0, n_chunks, edge_chunk, 0)
        plsc.subcore_barrier()
        drain_slice_to(p_hbm)

    return call(h_pad, src2, dst2, zrow, ones128, iota)


def kernel(x, edge_index, W, b):
    n, d_in = x.shape
    d = W.shape[1]
    e = edge_index.shape[1]

    n_pad = -(-(n + 1) // (NS * 8)) * (NS * 8)
    e1 = -(-e // NW) * NW
    g1 = e1 - e
    m = e1 // NW
    n_chunks = -(-m // K)
    p2 = n_chunks * K - m
    scrap0 = n + (jnp.arange(g1, dtype=jnp.int32) % (n_pad - n))
    src_t = jnp.concatenate(
        [edge_index[0], jnp.zeros((g1,), jnp.int32)]).reshape(NW, m)
    dst_t = jnp.concatenate([edge_index[1], scrap0]).reshape(NW, m)
    t_ids = jnp.arange(NW, dtype=jnp.int32)[:, None]
    i_ids = jnp.arange(p2, dtype=jnp.int32)[None, :]
    scrap = (n + (t_ids * 7 + i_ids) % (n_pad - n)).astype(jnp.int32)
    src_t = jnp.concatenate([src_t, jnp.zeros((NW, p2), jnp.int32)], axis=1)
    dst_t = jnp.concatenate([dst_t, scrap], axis=1)
    src2 = src_t.reshape(NW * n_chunks, K)
    dst2 = dst_t.reshape(NW * n_chunks, K)

    x_pad = jnp.pad(x, ((0, n_pad - n), (0, 0)))
    h_pad = _matmul_call(x_pad, W, n_pad // NS)

    zrow = jnp.zeros((K, d), jnp.float32)
    ones128 = jnp.ones((K, d), jnp.float32)
    iota = jnp.arange(n_pad, dtype=jnp.int32)

    p, cnt = _sc_aggregate(h_pad, src2, dst2, zrow, ones128, iota,
                           n_pad, d, n_chunks)
    p = p.reshape(NC, n_pad, d)
    cnt = cnt.reshape(NC, n_pad, d)

    out = _finalize_call(p, cnt, b.reshape(1, d), n_pad // NS)
    return out[:n]

# --- scband reference (transcript-rebuilt; emitter-appended) ---
"""Pipeline reference for scband-gi-gcnconv-32968168964747 (READ-ONLY COPY).

The authoritative reference and input builder live on the scoring server;
editing this copy changes nothing except your own understanding.
"""

import jax, jax.numpy as jnp
import numpy as np

N = 10000
E = 320000
D_IN = 128
D_OUT = 128


def setup_inputs(seed: int = 0) -> dict:
    key = jax.random.key(seed)
    k1, k2, k3, k4 = jax.random.split(key, 4)
    x = jax.random.normal(k1, (N, D_IN), dtype=jnp.float32)
    edge_index = jax.random.randint(k2, (2, E), 0, N, dtype=jnp.int32)
    # GCNConv learned parameters: weight [in, out] (glorot-ish) and bias [out]
    W = jax.random.normal(k3, (D_IN, D_OUT), dtype=jnp.float32) * (1.0 / np.sqrt(D_IN))
    b = jnp.zeros((D_OUT,), dtype=jnp.float32)
    return {"x": x, "edge_index": edge_index, "W": W, "b": b}


def _asymmetric_gcn_norm(edge_index, num_nodes, dtype, improved=False, add_self_loops=True):
    # Directed (asymmetric) GCN normalization: A_hat = D_in^{-1} (A + fill * I)
    src = edge_index[0]
    dst = edge_index[1]
    num_edges = edge_index.shape[1]
    ew = jnp.ones((num_edges,), dtype=dtype)
    fill_value = 2.0 if improved else 1.0
    if add_self_loops:
        loop = jnp.arange(num_nodes, dtype=edge_index.dtype)
        src = jnp.concatenate([src, loop])
        dst = jnp.concatenate([dst, loop])
        ew = jnp.concatenate([ew, jnp.full((num_nodes,), fill_value, dtype=dtype)])
    # in-degree at destination nodes
    deg = jax.ops.segment_sum(ew, dst, num_segments=num_nodes)
    deg_inv = jnp.where(deg > 0, 1.0 / deg, 0.0)
    norm = deg_inv[dst] * ew
    return src, dst, norm


def reference(x, edge_index, W, b):
    num_nodes = x.shape[0]
    src, dst, norm = _asymmetric_gcn_norm(edge_index, num_nodes, x.dtype,
                                          improved=False, add_self_loops=True)
    # GCNConv with normalize=False: linear transform then weighted scatter-add aggregation
    h = x @ W
    msg = norm[:, None] * jnp.take(h, src, axis=0)
    out = jax.ops.segment_sum(msg, dst, num_segments=num_nodes)
    out = out + b
    return out

if __name__ == "__main__":
    import jax
    _d = setup_inputs()
    print(jax.jit(kernel)(*tuple(_d.values())))

</pallas_src>

<mosaic_0001>
#map = affine_map<(d0, d1) -> (0, 0)>
#map1 = affine_map<(d0, d1) -> (0)>
module attributes {stable_mosaic.version = 14 : i64} {
  func.func @call(%arg0: i32, %arg1: i32, %arg2: memref<10112x128xf32, #tpu.memory_space<hbm>>, %arg3: memref<2528x128xi32, #tpu.memory_space<hbm>>, %arg4: memref<2528x128xi32, #tpu.memory_space<hbm>>, %arg5: memref<128x128xf32, #tpu.memory_space<hbm>>, %arg6: memref<128x128xf32, #tpu.memory_space<hbm>>, %arg7: memref<10112xi32, #tpu.memory_space<hbm>>, %arg8: memref<20224x128xf32, #tpu.memory_space<hbm>>, %arg9: memref<20224x128xf32, #tpu.memory_space<hbm>>, %arg10: memref<10112x128xf32, #tpu.memory_space<vmem_shared>>, %arg11: memref<128x128xf32, #tpu.memory_space<vmem>>, %arg12: memref<128xi32, #tpu.memory_space<vmem>>, %arg13: memref<128xi32, #tpu.memory_space<vmem>>, %arg14: memref<120xi32, #tpu.memory_space<vmem>>) attributes {dimension_semantics = [#tpu.dimension_semantics<core_parallel>, #tpu.dimension_semantics<subcore_parallel>], iteration_bounds = array<i64: 2, 16>, scalar_prefetch = 0 : i64, scratch_operands = 5 : i64, tpu.core_type = #tpu.core_type<sc_vector_subcore>, window_params = [{transform_indices = #map}, {transform_indices = #map}, {transform_indices = #map}, {transform_indices = #map}, {transform_indices = #map}, {transform_indices = #map1}, {transform_indices = #map}, {transform_indices = #map}]} {
    %mul3A = arith.constant 16 : i32
    %mul3A_0 = arith.muli %arg0, %mul3A : i32
    %add3A = arith.addi %mul3A_0, %arg1 : i32
    %mul3A_1 = arith.constant 632 : i32
    %mul3A_2 = arith.muli %arg1, %mul3A_1 : i32
    "tpu.region"() ({
      %run_scoped3A = tpu.sem_alloc : memref<!tpu.dma_semaphore, #tpu.memory_space<semaphore_mem>>
      tpu.enqueue_dma source(%arg6 : memref<128x128xf32, #tpu.memory_space<hbm>>) target(%arg11 : memref<128x128xf32, #tpu.memory_space<vmem>>) target_semaphore(%run_scoped3A : memref<!tpu.dma_semaphore, #tpu.memory_space<semaphore_mem>>)
      tpu.wait_dma2 semaphore(%run_scoped3A : memref<!tpu.dma_semaphore, #tpu.memory_space<semaphore_mem>>) src(%arg6 : memref<128x128xf32, #tpu.memory_space<hbm>>) dst(%arg11 : memref<128x128xf32, #tpu.memory_space<vmem>>)
      tpu.yield
    }) : () -> ()
    %scan3A = arith.constant 0 : i32
    %scan3A_3 = arith.constant 0 : i32
    %scan3A_4 = arith.constant 4 : i32
    %scan3A_5 = arith.addi %scan3A_3, %scan3A_4 : i32
    %scan3A_6 = arith.constant 1 : i32
    scf.for %scan3A_62 = %scan3A_3 to %scan3A_5 step %scan3A_6  : i32 {
      %mul3A_63 = arith.constant 128 : i32
      %mul3A_64 = arith.muli %scan3A_62, %mul3A_63 : i32
      %add3A_65 = arith.addi %mul3A_2, %mul3A_64 : i32
      "tpu.region"() ({
        %run_scoped3A = tpu.sem_alloc : memref<!tpu.dma_semaphore, #tpu.memory_space<semaphore_mem>>
        %dma_start3A = tpu.memref_slice %arg7[%add3A_65] : memref<10112xi32, #tpu.memory_space<hbm>> -> memref<128xi32, #tpu.memory_space<hbm>>
        %dma_start3A_66 = tpu.memref_slice %arg7[%add3A_65] : memref<10112xi32, #tpu.memory_space<hbm>> -> memref<128xi32, #tpu.memory_space<hbm>>
        tpu.enqueue_dma source(%dma_start3A_66 : memref<128xi32, #tpu.memory_space<hbm>>) target(%arg12 : memref<128xi32, #tpu.memory_space<vmem>>) target_semaphore(%run_scoped3A : memref<!tpu.dma_semaphore, #tpu.memory_space<semaphore_mem>>)
        %dma_wait3A = tpu.memref_slice %arg7[%add3A_65] : memref<10112xi32, #tpu.memory_space<hbm>> -> memref<128xi32, #tpu.memory_space<hbm>>
        %dma_wait3A_67 = tpu.memref_slice %arg7[%add3A_65] : memref<10112xi32, #tpu.memory_space<hbm>> -> memref<128xi32, #tpu.memory_space<hbm>>
        tpu.wait_dma2 semaphore(%run_scoped3A : memref<!tpu.dma_semaphore, #tpu.memory_space<semaphore_mem>>) src(%dma_wait3A_67 : memref<128xi32, #tpu.memory_space<hbm>>) dst(%arg12 : memref<128xi32, #tpu.memory_space<vmem>>)
        tpu.yield
      }) : () -> ()
      "tpu.region"() ({
        %run_scoped3A = tpu.sem_alloc : memref<!tpu.dma_semaphore, #tpu.memory_space<semaphore_mem>>
        %dma_start3A = arith.constant 0 : i32
        %dma_start3A_66 = arith.constant 0 : i32
        %dma_start3A_67 = tpu.memref_slice %arg10[%dma_start3A, %dma_start3A_66] : memref<10112x128xf32, #tpu.memory_space<vmem_shared>> -> memref<10112x128xf32, #tpu.memory_space<vmem_shared>>
        tpu.enqueue_indirect_dma source(%arg11 : memref<128x128xf32, #tpu.memory_space<vmem>>) target(%dma_start3A_67 : memref<10112x128xf32, #tpu.memory_space<vmem_shared>>) offsets(%arg12 : memref<128xi32, #tpu.memory_space<vmem>>) semaphore(%run_scoped3A : memref<!tpu.dma_semaphore, #tpu.memory_space<semaphore_mem>>)
        %dma_wait3A = arith.constant 0 : i32
        %dma_wait3A_68 = arith.constant 0 : i32
        %dma_wait3A_69 = tpu.memref_slice %arg10[%dma_wait3A, %dma_wait3A_68] : memref<10112x128xf32, #tpu.memory_space<vmem_shared>> -> memref<10112x128xf32, #tpu.memory_space<vmem_shared>>
        tpu.wait_indirect_dma semaphore(%run_scoped3A : memref<!tpu.dma_semaphore, #tpu.memory_space<semaphore_mem>>) src(%arg11 : memref<128x128xf32, #tpu.memory_space<vmem>>) dst(%dma_wait3A_69 : memref<10112x128xf32, #tpu.memory_space<vmem_shared>>)
        tpu.yield
      }) : () -> ()
    }
    %scan3A_7 = arith.constant 4 : i32
    %add3A_8 = arith.constant 512 : i32
    %add3A_9 = arith.addi %mul3A_2, %add3A_8 : i32
    "tpu.region"() ({
      %run_scoped3A = tpu.sem_alloc : memref<!tpu.dma_semaphore, #tpu.memory_space<semaphore_mem>>
      %dma_start3A = tpu.memref_slice %arg7[%add3A_9] : memref<10112xi32, #tpu.memory_space<hbm>> -> memref<120xi32, #tpu.memory_space<hbm>>
      %dma_start3A_62 = tpu.memref_slice %arg7[%add3A_9] : memref<10112xi32, #tpu.memory_space<hbm>> -> memref<120xi32, #tpu.memory_space<hbm>>
      tpu.enqueue_dma source(%dma_start3A_62 : memref<120xi32, #tpu.memory_space<hbm>>) target(%arg14 : memref<120xi32, #tpu.memory_space<vmem>>) target_semaphore(%run_scoped3A : memref<!tpu.dma_semaphore, #tpu.memory_space<semaphore_mem>>)
      %dma_wait3A = tpu.memref_slice %arg7[%add3A_9] : memref<10112xi32, #tpu.memory_space<hbm>> -> memref<120xi32, #tpu.memory_space<hbm>>
      %dma_wait3A_63 = tpu.memref_slice %arg7[%add3A_9] : memref<10112xi32, #tpu.memory_space<hbm>> -> memref<120xi32, #tpu.memory_space<hbm>>
      tpu.wait_dma2 semaphore(%run_scoped3A : memref<!tpu.dma_semaphore, #tpu.memory_space<semaphore_mem>>) src(%dma_wait3A_63 : memref<120xi32, #tpu.memory_space<hbm>>) dst(%arg14 : memref<120xi32, #tpu.memory_space<vmem>>)
      tpu.yield
    }) : () -> ()
    "tpu.region"() ({
      %run_scoped3A = tpu.sem_alloc : memref<!tpu.dma_semaphore, #tpu.memory_space<semaphore_mem>>
      %dma_start3A = arith.constant 0 : i32
      %dma_start3A_62 = arith.constant 0 : i32
      %dma_start3A_63 = tpu.memref_slice %arg11[%dma_start3A, %dma_start3A_62] : memref<128x128xf32, #tpu.memory_space<vmem>> -> memref<120x128xf32, #tpu.memory_space<vmem>>
      %dma_start3A_64 = arith.constant 0 : i32
      %dma_start3A_65 = arith.constant 0 : i32
      %dma_start3A_66 = tpu.memref_slice %arg10[%dma_start3A_64, %dma_start3A_65] : memref<10112x128xf32, #tpu.memory_space<vmem_shared>> -> memref<10112x128xf32, #tpu.memory_space<vmem_shared>>
      tpu.enqueue_indirect_dma source(%dma_start3A_63 : memref<120x128xf32, #tpu.memory_space<vmem>>) target(%dma_start3A_66 : memref<10112x128xf32, #tpu.memory_space<vmem_shared>>) offsets(%arg14 : memref<120xi32, #tpu.memory_space<vmem>>) semaphore(%run_scoped3A : memref<!tpu.dma_semaphore, #tpu.memory_space<semaphore_mem>>)
      %dma_wait3A = arith.constant 0 : i32
      %dma_wait3A_67 = arith.constant 0 : i32
      %dma_wait3A_68 = tpu.memref_slice %arg11[%dma_wait3A, %dma_wait3A_67] : memref<128x128xf32, #tpu.memory_space<vmem>> -> memref<120x128xf32, #tpu.memory_space<vmem>>
      %dma_wait3A_69 = arith.constant 0 : i32
      %dma_wait3A_70 = arith.constant 0 : i32
      %dma_wait3A_71 = tpu.memref_slice %arg10[%dma_wait3A_69, %dma_wait3A_70] : memref<10112x128xf32, #tpu.memory_space<vmem_shared>> -> memref<10112x128xf32, #tpu.memory_space<vmem_shared>>
      tpu.wait_indirect_dma semaphore(%run_scoped3A : memref<!tpu.dma_semaphore, #tpu.memory_space<semaphore_mem>>) src(%dma_wait3A_68 : memref<120x128xf32, #tpu.memory_space<vmem>>) dst(%dma_wait3A_71 : memref<10112x128xf32, #tpu.memory_space<vmem_shared>>)
      tpu.yield
    }) : () -> ()
    %barrier3A = arith.constant 0 : index
    tpu.barrier barrier_id(%barrier3A)
    %scan3A_10 = arith.constant 0 : i32
    %scan3A_11 = arith.constant 0 : i32
    %scan3A_12 = arith.constant 79 : i32
    %scan3A_13 = arith.addi %scan3A_11, %scan3A_12 : i32
    %scan3A_14 = arith.constant 1 : i32
    scf.for %scan3A_62 = %scan3A_11 to %scan3A_13 step %scan3A_14  : i32 {
      %mul3A_63 = arith.constant 79 : i32
      %mul3A_64 = arith.muli %add3A, %mul3A_63 : i32
      %add3A_65 = arith.addi %mul3A_64, %scan3A_62 : i32
      "tpu.region"() ({
        %run_scoped3A = tpu.sem_alloc : memref<!tpu.dma_semaphore, #tpu.memory_space<semaphore_mem>>
        %dma_start3A = arith.constant 0 : i32
        %dma_start3A_66 = tpu.memref_slice %arg4[%add3A_65, %dma_start3A] : memref<2528x128xi32, #tpu.memory_space<hbm>> -> memref<1x128xi32, #tpu.memory_space<hbm>>
        %dma_start3A_67 = tpu.memref_squeeze %dma_start3A_66 : memref<1x128xi32, #tpu.memory_space<hbm>> -> memref<128xi32, #tpu.memory_space<hbm>>
        %dma_start3A_68 = arith.constant 0 : i32
        %dma_start3A_69 = tpu.memref_slice %arg4[%add3A_65, %dma_start3A_68] : memref<2528x128xi32, #tpu.memory_space<hbm>> -> memref<1x128xi32, #tpu.memory_space<hbm>>
        %dma_start3A_70 = tpu.memref_squeeze %dma_start3A_69 : memref<1x128xi32, #tpu.memory_space<hbm>> -> memref<128xi32, #tpu.memory_space<hbm>>
        tpu.enqueue_dma source(%dma_start3A_70 : memref<128xi32, #tpu.memory_space<hbm>>) target(%arg12 : memref<128xi32, #tpu.memory_space<vmem>>) target_semaphore(%run_scoped3A : memref<!tpu.dma_semaphore, #tpu.memory_space<semaphore_mem>>)
        %dma_wait3A = arith.constant 0 : i32
        %dma_wait3A_71 = tpu.memref_slice %arg4[%add3A_65, %dma_wait3A] : memref<2528x128xi32, #tpu.memory_space<hbm>> -> memref<1x128xi32, #tpu.memory_space<hbm>>
        %dma_wait3A_72 = tpu.memref_squeeze %dma_wait3A_71 : memref<1x128xi32, #tpu.memory_space<hbm>> -> memref<128xi32, #tpu.memory_space<hbm>>
        %dma_wait3A_73 = arith.constant 0 : i32
        %dma_wait3A_74 = tpu.memref_slice %arg4[%add3A_65, %dma_wait3A_73] : memref<2528x128xi32, #tpu.memory_space<hbm>> -> memref<1x128xi32, #tpu.memory_space<hbm>>
        %dma_wait3A_75 = tpu.memref_squeeze %dma_wait3A_74 : memref<1x128xi32, #tpu.memory_space<hbm>> -> memref<128xi32, #tpu.memory_space<hbm>>
        tpu.wait_dma2 semaphore(%run_scoped3A : memref<!tpu.dma_semaphore, #tpu.memory_space<semaphore_mem>>) src(%dma_wait3A_75 : memref<128xi32, #tpu.memory_space<hbm>>) dst(%arg12 : memref<128xi32, #tpu.memory_space<vmem>>)
        tpu.yield
      }) : () -> ()
      "tpu.region"() ({
        %run_scoped3A = tpu.sem_alloc : memref<!tpu.dma_semaphore, #tpu.memory_space<semaphore_mem>>
        %dma_start3A = arith.constant 0 : i32
        %dma_start3A_66 = arith.constant 0 : i32
        %dma_start3A_67 = tpu.memref_slice %arg10[%dma_start3A, %dma_start3A_66] : memref<10112x128xf32, #tpu.memory_space<vmem_shared>> -> memref<10112x128xf32, #tpu.memory_space<vmem_shared>>
        tpu.enqueue_indirect_dma source(%arg11 : memref<128x128xf32, #tpu.memory_space<vmem>>) target(%dma_start3A_67 : memref<10112x128xf32, #tpu.memory_space<vmem_shared>>) offsets(%arg12 : memref<128xi32, #tpu.memory_space<vmem>>) semaphore(%run_scoped3A : memref<!tpu.dma_semaphore, #tpu.memory_space<semaphore_mem>>) {add = true}
        %dma_wait3A = arith.constant 0 : i32
        %dma_wait3A_68 = arith.constant 0 : i32
        %dma_wait3A_69 = tpu.memref_slice %arg10[%dma_wait3A, %dma_wait3A_68] : memref<10112x128xf32, #tpu.memory_space<vmem_shared>> -> memref<10112x128xf32, #tpu.memory_space<vmem_shared>>
        tpu.wait_indirect_dma semaphore(%run_scoped3A : memref<!tpu.dma_semaphore, #tpu.memory_space<semaphore_mem>>) src(%arg11 : memref<128x128xf32, #tpu.memory_space<vmem>>) dst(%dma_wait3A_69 : memref<10112x128xf32, #tpu.memory_space<vmem_shared>>)
        tpu.yield
      }) : () -> ()
    }
    %scan3A_15 = arith.constant 79 : i32
    %barrier3A_16 = arith.constant 0 : index
    tpu.barrier barrier_id(%barrier3A_16)
    %scan3A_17 = arith.constant 0 : i32
    %scan3A_18 = arith.constant 0 : i32
    %scan3A_19 = arith.constant 4 : i32
    %scan3A_20 = arith.addi %scan3A_18, %scan3A_19 : i32
    %scan3A_21 = arith.constant 1 : i32
    scf.for %scan3A_62 = %scan3A_18 to %scan3A_20 step %scan3A_21  : i32 {
      %mul3A_63 = arith.constant 128 : i32
      %mul3A_64 = arith.muli %scan3A_62, %mul3A_63 : i32
      %add3A_65 = arith.addi %mul3A_2, %mul3A_64 : i32
      "tpu.region"() ({
        %run_scoped3A = tpu.sem_alloc : memref<!tpu.dma_semaphore, #tpu.memory_space<semaphore_mem>>
        %dma_start3A = tpu.memref_slice %arg7[%add3A_65] : memref<10112xi32, #tpu.memory_space<hbm>> -> memref<128xi32, #tpu.memory_space<hbm>>
        %dma_start3A_69 = tpu.memref_slice %arg7[%add3A_65] : memref<10112xi32, #tpu.memory_space<hbm>> -> memref<128xi32, #tpu.memory_space<hbm>>
        tpu.enqueue_dma source(%dma_start3A_69 : memref<128xi32, #tpu.memory_space<hbm>>) target(%arg12 : memref<128xi32, #tpu.memory_space<vmem>>) target_semaphore(%run_scoped3A : memref<!tpu.dma_semaphore, #tpu.memory_space<semaphore_mem>>)
        %dma_wait3A = tpu.memref_slice %arg7[%add3A_65] : memref<10112xi32, #tpu.memory_space<hbm>> -> memref<128xi32, #tpu.memory_space<hbm>>
        %dma_wait3A_70 = tpu.memref_slice %arg7[%add3A_65] : memref<10112xi32, #tpu.memory_space<hbm>> -> memref<128xi32, #tpu.memory_space<hbm>>
        tpu.wait_dma2 semaphore(%run_scoped3A : memref<!tpu.dma_semaphore, #tpu.memory_space<semaphore_mem>>) src(%dma_wait3A_70 : memref<128xi32, #tpu.memory_space<hbm>>) dst(%arg12 : memref<128xi32, #tpu.memory_space<vmem>>)
        tpu.yield
      }) : () -> ()
      "tpu.region"() ({
        %run_scoped3A = tpu.sem_alloc : memref<!tpu.dma_semaphore, #tpu.memory_space<semaphore_mem>>
        %dma_start3A = arith.constant 0 : i32
        %dma_start3A_69 = arith.constant 0 : i32
        %dma_start3A_70 = tpu.memref_slice %arg10[%dma_start3A, %dma_start3A_69] : memref<10112x128xf32, #tpu.memory_space<vmem_shared>> -> memref<10112x128xf32, #tpu.memory_space<vmem_shared>>
        tpu.enqueue_indirect_dma source(%dma_start3A_70 : memref<10112x128xf32, #tpu.memory_space<vmem_shared>>) target(%arg11 : memref<128x128xf32, #tpu.memory_space<vmem>>) offsets(%arg12 : memref<128xi32, #tpu.memory_space<vmem>>) semaphore(%run_scoped3A : memref<!tpu.dma_semaphore, #tpu.memory_space<semaphore_mem>>)
        %dma_wait3A = arith.constant 0 : i32
        %dma_wait3A_71 = arith.constant 0 : i32
        %dma_wait3A_72 = tpu.memref_slice %arg10[%dma_wait3A, %dma_wait3A_71] : memref<10112x128xf32, #tpu.memory_space<vmem_shared>> -> memref<10112x128xf32, #tpu.memory_space<vmem_shared>>
        tpu.wait_indirect_dma semaphore(%run_scoped3A : memref<!tpu.dma_semaphore, #tpu.memory_space<semaphore_mem>>) src(%dma_wait3A_72 : memref<10112x128xf32, #tpu.memory_space<vmem_shared>>) dst(%arg11 : memref<128x128xf32, #tpu.memory_space<vmem>>)
        tpu.yield
      }) : () -> ()
      %mul3A_66 = arith.constant 10112 : i32
      %mul3A_67 = arith.muli %arg0, %mul3A_66 : i32
      %add3A_68 = arith.addi %mul3A_67, %add3A_65 : i32
      "tpu.region"() ({
        %run_scoped3A = tpu.sem_alloc : memref<!tpu.dma_semaphore, #tpu.memory_space<semaphore_mem>>
        %dma_start3A = arith.constant 0 : i32
        %dma_start3A_69 = tpu.memref_slice %arg9[%add3A_68, %dma_start3A] : memref<20224x128xf32, #tpu.memory_space<hbm>> -> memref<128x128xf32, #tpu.memory_space<hbm>>
        %dma_start3A_70 = arith.constant 0 : i32
        %dma_start3A_71 = tpu.memref_slice %arg9[%add3A_68, %dma_start3A_70] : memref<20224x128xf32, #tpu.memory_space<hbm>> -> memref<128x128xf32, #tpu.memory_space<hbm>>
        tpu.enqueue_dma source(%arg11 : memref<128x128xf32, #tpu.memory_space<vmem>>) target(%dma_start3A_71 : memref<128x128xf32, #tpu.memory_space<hbm>>) target_semaphore(%run_scoped3A : memref<!tpu.dma_semaphore, #tpu.memory_space<semaphore_mem>>)
        %dma_wait3A = arith.constant 0 : i32
        %dma_wait3A_72 = tpu.memref_slice %arg9[%add3A_68, %dma_wait3A] : memref<20224x128xf32, #tpu.memory_space<hbm>> -> memref<128x128xf32, #tpu.memory_space<hbm>>
        %dma_wait3A_73 = arith.constant 0 : i32
        %dma_wait3A_74 = tpu.memref_slice %arg9[%add3A_68, %dma_wait3A_73] : memref<20224x128xf32, #tpu.memory_space<hbm>> -> memref<128x128xf32, #tpu.memory_space<hbm>>
        tpu.wait_dma2 semaphore(%run_scoped3A : memref<!tpu.dma_semaphore, #tpu.memory_space<semaphore_mem>>) src(%arg11 : memref<128x128xf32, #tpu.memory_space<vmem>>) dst(%dma_wait3A_74 : memref<128x128xf32, #tpu.memory_space<hbm>>)
        tpu.yield
      }) : () -> ()
    }
    %scan3A_22 = arith.constant 4 : i32
    %add3A_23 = arith.constant 512 : i32
    %add3A_24 = arith.addi %mul3A_2, %add3A_23 : i32
    "tpu.region"() ({
      %run_scoped3A = tpu.sem_alloc : memref<!tpu.dma_semaphore, #tpu.memory_space<semaphore_mem>>
      %dma_start3A = tpu.memref_slice %arg7[%add3A_24] : memref<10112xi32, #tpu.memory_space<hbm>> -> memref<120xi32, #tpu.memory_space<hbm>>
      %dma_start3A_62 = tpu.memref_slice %arg7[%add3A_24] : memref<10112xi32, #tpu.memory_space<hbm>> -> memref<120xi32, #tpu.memory_space<hbm>>
      tpu.enqueue_dma source(%dma_start3A_62 : memref<120xi32, #tpu.memory_space<hbm>>) target(%arg14 : memref<120xi32, #tpu.memory_space<vmem>>) target_semaphore(%run_scoped3A : memref<!tpu.dma_semaphore, #tpu.memory_space<semaphore_mem>>)
      %dma_wait3A = tpu.memref_slice %arg7[%add3A_24] : memref<10112xi32, #tpu.memory_space<hbm>> -> memref<120xi32, #tpu.memory_space<hbm>>
      %dma_wait3A_63 = tpu.memref_slice %arg7[%add3A_24] : memref<10112xi32, #tpu.memory_space<hbm>> -> memref<120xi32, #tpu.memory_space<hbm>>
      tpu.wait_dma2 semaphore(%run_scoped3A : memref<!tpu.dma_semaphore, #tpu.memory_space<semaphore_mem>>) src(%dma_wait3A_63 : memref<120xi32, #tpu.memory_space<hbm>>) dst(%arg14 : memref<120xi32, #tpu.memory_space<vmem>>)
      tpu.yield
    }) : () -> ()
    "tpu.region"() ({
      %run_scoped3A = tpu.sem_alloc : memref<!tpu.dma_semaphore, #tpu.memory_space<semaphore_mem>>
      %dma_start3A = arith.constant 0 : i32
      %dma_start3A_62 = arith.constant 0 : i32
      %dma_start3A_63 = tpu.memref_slice %arg11[%dma_start3A, %dma_start3A_62] : memref<128x128xf32, #tpu.memory_space<vmem>> -> memref<120x128xf32, #tpu.memory_space<vmem>>
      %dma_start3A_64 = arith.constant 0 : i32
      %dma_start3A_65 = arith.constant 0 : i32
      %dma_start3A_66 = tpu.memref_slice %arg10[%dma_start3A_64, %dma_start3A_65] : memref<10112x128xf32, #tpu.memory_space<vmem_shared>> -> memref<10112x128xf32, #tpu.memory_space<vmem_shared>>
      tpu.enqueue_indirect_dma source(%dma_start3A_66 : memref<10112x128xf32, #tpu.memory_space<vmem_shared>>) target(%dma_start3A_63 : memref<120x128xf32, #tpu.memory_space<vmem>>) offsets(%arg14 : memref<120xi32, #tpu.memory_space<vmem>>) semaphore(%run_scoped3A : memref<!tpu.dma_semaphore, #tpu.memory_space<semaphore_mem>>)
      %dma_wait3A = arith.constant 0 : i32
      %dma_wait3A_67 = arith.constant 0 : i32
      %dma_wait3A_68 = tpu.memref_slice %arg11[%dma_wait3A, %dma_wait3A_67] : memref<128x128xf32, #tpu.memory_space<vmem>> -> memref<120x128xf32, #tpu.memory_space<vmem>>
      %dma_wait3A_69 = arith.constant 0 : i32
      %dma_wait3A_70 = arith.constant 0 : i32
      %dma_wait3A_71 = tpu.memref_slice %arg10[%dma_wait3A_69, %dma_wait3A_70] : memref<10112x128xf32, #tpu.memory_space<vmem_shared>> -> memref<10112x128xf32, #tpu.memory_space<vmem_shared>>
      tpu.wait_indirect_dma semaphore(%run_scoped3A : memref<!tpu.dma_semaphore, #tpu.memory_space<semaphore_mem>>) src(%dma_wait3A_71 : memref<10112x128xf32, #tpu.memory_space<vmem_shared>>) dst(%dma_wait3A_68 : memref<120x128xf32, #tpu.memory_space<vmem>>)
      tpu.yield
    }) : () -> ()
    %mul3A_25 = arith.constant 10112 : i32
    %mul3A_26 = arith.muli %arg0, %mul3A_25 : i32
    %add3A_27 = arith.addi %mul3A_26, %add3A_24 : i32
    "tpu.region"() ({
      %run_scoped3A = tpu.sem_alloc : memref<!tpu.dma_semaphore, #tpu.memory_space<semaphore_mem>>
      %dma_start3A = arith.constant 0 : i32
      %dma_start3A_62 = arith.constant 0 : i32
      %dma_start3A_63 = tpu.memref_slice %arg11[%dma_start3A, %dma_start3A_62] : memref<128x128xf32, #tpu.memory_space<vmem>> -> memref<120x128xf32, #tpu.memory_space<vmem>>
      %dma_start3A_64 = arith.constant 0 : i32
      %dma_start3A_65 = tpu.memref_slice %arg9[%add3A_27, %dma_start3A_64] : memref<20224x128xf32, #tpu.memory_space<hbm>> -> memref<120x128xf32, #tpu.memory_space<hbm>>
      %dma_start3A_66 = arith.constant 0 : i32
      %dma_start3A_67 = tpu.memref_slice %arg9[%add3A_27, %dma_start3A_66] : memref<20224x128xf32, #tpu.memory_space<hbm>> -> memref<120x128xf32, #tpu.memory_space<hbm>>
      %dma_start3A_68 = arith.constant 0 : i32
      %dma_start3A_69 = arith.constant 0 : i32
      %dma_start3A_70 = tpu.memref_slice %arg11[%dma_start3A_68, %dma_start3A_69] : memref<128x128xf32, #tpu.memory_space<vmem>> -> memref<120x128xf32, #tpu.memory_space<vmem>>
      tpu.enqueue_dma source(%dma_start3A_70 : memref<120x128xf32, #tpu.memory_space<vmem>>) target(%dma_start3A_67 : memref<120x128xf32, #tpu.memory_space<hbm>>) target_semaphore(%run_scoped3A : memref<!tpu.dma_semaphore, #tpu.memory_space<semaphore_mem>>)
      %dma_wait3A = arith.constant 0 : i32
      %dma_wait3A_71 = arith.constant 0 : i32
      %dma_wait3A_72 = tpu.memref_slice %arg11[%dma_wait3A, %dma_wait3A_71] : memref<128x128xf32, #tpu.memory_space<vmem>> -> memref<120x128xf32, #tpu.memory_space<vmem>>
      %dma_wait3A_73 = arith.constant 0 : i32
      %dma_wait3A_74 = tpu.memref_slice %arg9[%add3A_27, %dma_wait3A_73] : memref<20224x128xf32, #tpu.memory_space<hbm>> -> memref<120x128xf32, #tpu.memory_space<hbm>>
      %dma_wait3A_75 = arith.constant 0 : i32
      %dma_wait3A_76 = tpu.memref_slice %arg9[%add3A_27, %dma_wait3A_75] : memref<20224x128xf32, #tpu.memory_space<hbm>> -> memref<120x128xf32, #tpu.memory_space<hbm>>
      %dma_wait3A_77 = arith.constant 0 : i32
      %dma_wait3A_78 = arith.constant 0 : i32
      %dma_wait3A_79 = tpu.memref_slice %arg11[%dma_wait3A_77, %dma_wait3A_78] : memref<128x128xf32, #tpu.memory_space<vmem>> -> memref<120x128xf32, #tpu.memory_space<vmem>>
      tpu.wait_dma2 semaphore(%run_scoped3A : memref<!tpu.dma_semaphore, #tpu.memory_space<semaphore_mem>>) src(%dma_wait3A_79 : memref<120x128xf32, #tpu.memory_space<vmem>>) dst(%dma_wait3A_76 : memref<120x128xf32, #tpu.memory_space<hbm>>)
      tpu.yield
    }) : () -> ()
    %barrier3A_28 = arith.constant 0 : index
    tpu.barrier barrier_id(%barrier3A_28)
    %ne3A = arith.constant 0 : i32
    %ne3A_29 = arith.cmpi ne, %arg0, %ne3A : i32
    %convert_element_type3A = arith.extui %ne3A_29 : i1 to i32
    %cond3A = arith.constant 0 : i32
    %cond3A_30 = arith.cmpi ne, %convert_element_type3A, %cond3A : i32
    scf.if %cond3A_30 {
      "tpu.region"() ({
        %run_scoped3A = tpu.sem_alloc : memref<!tpu.dma_semaphore, #tpu.memory_space<semaphore_mem>>
        tpu.enqueue_dma source(%arg5 : memref<128x128xf32, #tpu.memory_space<hbm>>) target(%arg11 : memref<128x128xf32, #tpu.memory_space<vmem>>) target_semaphore(%run_scoped3A : memref<!tpu.dma_semaphore, #tpu.memory_space<semaphore_mem>>)
        tpu.wait_dma2 semaphore(%run_scoped3A : memref<!tpu.dma_semaphore, #tpu.memory_space<semaphore_mem>>) src(%arg5 : memref<128x128xf32, #tpu.memory_space<hbm>>) dst(%arg11 : memref<128x128xf32, #tpu.memory_space<vmem>>)
        tpu.yield
      }) : () -> ()
    } else {
    }
    %scan3A_31 = arith.constant 0 : i32
    %scan3A_32 = arith.constant 0 : i32
    %scan3A_33 = arith.constant 4 : i32
    %scan3A_34 = arith.addi %scan3A_32, %scan3A_33 : i32
    %scan3A_35 = arith.constant 1 : i32
    scf.for %scan3A_62 = %scan3A_32 to %scan3A_34 step %scan3A_35  : i32 {
      %mul3A_63 = arith.constant 128 : i32
      %mul3A_64 = arith.muli %scan3A_62, %mul3A_63 : i32
      %add3A_65 = arith.addi %mul3A_2, %mul3A_64 : i32
      "tpu.region"() ({
        %run_scoped3A = tpu.sem_alloc : memref<!tpu.dma_semaphore, #tpu.memory_space<semaphore_mem>>
        %dma_start3A = tpu.memref_slice %arg7[%add3A_65] : memref<10112xi32, #tpu.memory_space<hbm>> -> memref<128xi32, #tpu.memory_space<hbm>>
        %dma_start3A_71 = tpu.memref_slice %arg7[%add3A_65] : memref<10112xi32, #tpu.memory_space<hbm>> -> memref<128xi32, #tpu.memory_space<hbm>>
        tpu.enqueue_dma source(%dma_start3A_71 : memref<128xi32, #tpu.memory_space<hbm>>) target(%arg12 : memref<128xi32, #tpu.memory_space<vmem>>) target_semaphore(%run_scoped3A : memref<!tpu.dma_semaphore, #tpu.memory_space<semaphore_mem>>)
        %dma_wait3A = tpu.memref_slice %arg7[%add3A_65] : memref<10112xi32, #tpu.memory_space<hbm>> -> memref<128xi32, #tpu.memory_space<hbm>>
        %dma_wait3A_72 = tpu.memref_slice %arg7[%add3A_65] : memref<10112xi32, #tpu.memory_space<hbm>> -> memref<128xi32, #tpu.memory_space<hbm>>
        tpu.wait_dma2 semaphore(%run_scoped3A : memref<!tpu.dma_semaphore, #tpu.memory_space<semaphore_mem>>) src(%dma_wait3A_72 : memref<128xi32, #tpu.memory_space<hbm>>) dst(%arg12 : memref<128xi32, #tpu.memory_space<vmem>>)
        tpu.yield
      }) : () -> ()
      %eq3A_66 = arith.constant 0 : i32
      %eq3A_67 = arith.cmpi eq, %arg0, %eq3A_66 : i32
      %convert_element_type3A_68 = arith.extui %eq3A_67 : i1 to i32
      %cond3A_69 = arith.constant 0 : i32
      %cond3A_70 = arith.cmpi ne, %convert_element_type3A_68, %cond3A_69 : i32
      scf.if %cond3A_70 {
        "tpu.region"() ({
          %run_scoped3A = tpu.sem_alloc : memref<!tpu.dma_semaphore, #tpu.memory_space<semaphore_mem>>
          %dma_start3A = arith.constant 0 : i32
          %dma_start3A_71 = tpu.memref_slice %arg2[%add3A_65, %dma_start3A] : memref<10112x128xf32, #tpu.memory_space<hbm>> -> memref<128x128xf32, #tpu.memory_space<hbm>>
          %dma_start3A_72 = arith.constant 0 : i32
          %dma_start3A_73 = tpu.memref_slice %arg2[%add3A_65, %dma_start3A_72] : memref<10112x128xf32, #tpu.memory_space<hbm>> -> memref<128x128xf32, #tpu.memory_space<hbm>>
          tpu.enqueue_dma source(%dma_start3A_73 : memref<128x128xf32, #tpu.memory_space<hbm>>) target(%arg11 : memref<128x128xf32, #tpu.memory_space<vmem>>) target_semaphore(%run_scoped3A : memref<!tpu.dma_semaphore, #tpu.memory_space<semaphore_mem>>)
          %dma_wait3A = arith.constant 0 : i32
          %dma_wait3A_74 = tpu.memref_slice %arg2[%add3A_65, %dma_wait3A] : memref<10112x128xf32, #tpu.memory_space<hbm>> -> memref<128x128xf32, #tpu.memory_space<hbm>>
          %dma_wait3A_75 = arith.constant 0 : i32
          %dma_wait3A_76 = tpu.memref_slice %arg2[%add3A_65, %dma_wait3A_75] : memref<10112x128xf32, #tpu.memory_space<hbm>> -> memref<128x128xf32, #tpu.memory_space<hbm>>
          tpu.wait_dma2 semaphore(%run_scoped3A : memref<!tpu.dma_semaphore, #tpu.memory_space<semaphore_mem>>) src(%dma_wait3A_76 : memref<128x128xf32, #tpu.memory_space<hbm>>) dst(%arg11 : memref<128x128xf32, #tpu.memory_space<vmem>>)
          tpu.yield
        }) : () -> ()
      } else {
      }
      "tpu.region"() ({
        %run_scoped3A = tpu.sem_alloc : memref<!tpu.dma_semaphore, #tpu.memory_space<semaphore_mem>>
        %dma_start3A = arith.constant 0 : i32
        %dma_start3A_71 = arith.constant 0 : i32
        %dma_start3A_72 = tpu.memref_slice %arg10[%dma_start3A, %dma_start3A_71] : memref<10112x128xf32, #tpu.memory_space<vmem_shared>> -> memref<10112x128xf32, #tpu.memory_space<vmem_shared>>
        tpu.enqueue_indirect_dma source(%arg11 : memref<128x128xf32, #tpu.memory_space<vmem>>) target(%dma_start3A_72 : memref<10112x128xf32, #tpu.memory_space<vmem_shared>>) offsets(%arg12 : memref<128xi32, #tpu.memory_space<vmem>>) semaphore(%run_scoped3A : memref<!tpu.dma_semaphore, #tpu.memory_space<semaphore_mem>>)
        %dma_wait3A = arith.constant 0 : i32
        %dma_wait3A_73 = arith.constant 0 : i32
        %dma_wait3A_74 = tpu.memref_slice %arg10[%dma_wait3A, %dma_wait3A_73] : memref<10112x128xf32, #tpu.memory_space<vmem_shared>> -> memref<10112x128xf32, #tpu.memory_space<vmem_shared>>
        tpu.wait_indirect_dma semaphore(%run_scoped3A : memref<!tpu.dma_semaphore, #tpu.memory_space<semaphore_mem>>) src(%arg11 : memref<128x128xf32, #tpu.memory_space<vmem>>) dst(%dma_wait3A_74 : memref<10112x128xf32, #tpu.memory_space<vmem_shared>>)
        tpu.yield
      }) : () -> ()
    }
    %scan3A_36 = arith.constant 4 : i32
    %add3A_37 = arith.constant 512 : i32
    %add3A_38 = arith.addi %mul3A_2, %add3A_37 : i32
    "tpu.region"() ({
      %run_scoped3A = tpu.sem_alloc : memref<!tpu.dma_semaphore, #tpu.memory_space<semaphore_mem>>
      %dma_start3A = tpu.memref_slice %arg7[%add3A_38] : memref<10112xi32, #tpu.memory_space<hbm>> -> memref<120xi32, #tpu.memory_space<hbm>>
      %dma_start3A_62 = tpu.memref_slice %arg7[%add3A_38] : memref<10112xi32, #tpu.memory_space<hbm>> -> memref<120xi32, #tpu.memory_space<hbm>>
      tpu.enqueue_dma source(%dma_start3A_62 : memref<120xi32, #tpu.memory_space<hbm>>) target(%arg14 : memref<120xi32, #tpu.memory_space<vmem>>) target_semaphore(%run_scoped3A : memref<!tpu.dma_semaphore, #tpu.memory_space<semaphore_mem>>)
      %dma_wait3A = tpu.memref_slice %arg7[%add3A_38] : memref<10112xi32, #tpu.memory_space<hbm>> -> memref<120xi32, #tpu.memory_space<hbm>>
      %dma_wait3A_63 = tpu.memref_slice %arg7[%add3A_38] : memref<10112xi32, #tpu.memory_space<hbm>> -> memref<120xi32, #tpu.memory_space<hbm>>
      tpu.wait_dma2 semaphore(%run_scoped3A : memref<!tpu.dma_semaphore, #tpu.memory_space<semaphore_mem>>) src(%dma_wait3A_63 : memref<120xi32, #tpu.memory_space<hbm>>) dst(%arg14 : memref<120xi32, #tpu.memory_space<vmem>>)
      tpu.yield
    }) : () -> ()
    %eq3A = arith.constant 0 : i32
    %eq3A_39 = arith.cmpi eq, %arg0, %eq3A : i32
    %convert_element_type3A_40 = arith.extui %eq3A_39 : i1 to i32
    %cond3A_41 = arith.constant 0 : i32
    %cond3A_42 = arith.cmpi ne, %convert_element_type3A_40, %cond3A_41 : i32
    scf.if %cond3A_42 {
      "tpu.region"() ({
        %run_scoped3A = tpu.sem_alloc : memref<!tpu.dma_semaphore, #tpu.memory_space<semaphore_mem>>
        %dma_start3A = arith.constant 0 : i32
        %dma_start3A_62 = arith.constant 0 : i32
        %dma_start3A_63 = tpu.memref_slice %arg11[%dma_start3A, %dma_start3A_62] : memref<128x128xf32, #tpu.memory_space<vmem>> -> memref<120x128xf32, #tpu.memory_space<vmem>>
        %dma_start3A_64 = arith.constant 0 : i32
        %dma_start3A_65 = tpu.memref_slice %arg2[%add3A_38, %dma_start3A_64] : memref<10112x128xf32, #tpu.memory_space<hbm>> -> memref<120x128xf32, #tpu.memory_space<hbm>>
        %dma_start3A_66 = arith.constant 0 : i32
        %dma_start3A_67 = arith.constant 0 : i32
        %dma_start3A_68 = tpu.memref_slice %arg11[%dma_start3A_66, %dma_start3A_67] : memref<128x128xf32, #tpu.memory_space<vmem>> -> memref<120x128xf32, #tpu.memory_space<vmem>>
        %dma_start3A_69 = arith.constant 0 : i32
        %dma_start3A_70 = tpu.memref_slice %arg2[%add3A_38, %dma_start3A_69] : memref<10112x128xf32, #tpu.memory_space<hbm>> -> memref<120x128xf32, #tpu.memory_space<hbm>>
        tpu.enqueue_dma source(%dma_start3A_70 : memref<120x128xf32, #tpu.memory_space<hbm>>) target(%dma_start3A_68 : memref<120x128xf32, #tpu.memory_space<vmem>>) target_semaphore(%run_scoped3A : memref<!tpu.dma_semaphore, #tpu.memory_space<semaphore_mem>>)
        %dma_wait3A = arith.constant 0 : i32
        %dma_wait3A_71 = arith.constant 0 : i32
        %dma_wait3A_72 = tpu.memref_slice %arg11[%dma_wait3A, %dma_wait3A_71] : memref<128x128xf32, #tpu.memory_space<vmem>> -> memref<120x128xf32, #tpu.memory_space<vmem>>
        %dma_wait3A_73 = arith.constant 0 : i32
        %dma_wait3A_74 = tpu.memref_slice %arg2[%add3A_38, %dma_wait3A_73] : memref<10112x128xf32, #tpu.memory_space<hbm>> -> memref<120x128xf32, #tpu.memory_space<hbm>>
        %dma_wait3A_75 = arith.constant 0 : i32
        %dma_wait3A_76 = arith.constant 0 : i32
        %dma_wait3A_77 = tpu.memref_slice %arg11[%dma_wait3A_75, %dma_wait3A_76] : memref<128x128xf32, #tpu.memory_space<vmem>> -> memref<120x128xf32, #tpu.memory_space<vmem>>
        %dma_wait3A_78 = arith.constant 0 : i32
        %dma_wait3A_79 = tpu.memref_slice %arg2[%add3A_38, %dma_wait3A_78] : memref<10112x128xf32, #tpu.memory_space<hbm>> -> memref<120x128xf32, #tpu.memory_space<hbm>>
        tpu.wait_dma2 semaphore(%run_scoped3A : memref<!tpu.dma_semaphore, #tpu.memory_space<semaphore_mem>>) src(%dma_wait3A_79 : memref<120x128xf32, #tpu.memory_space<hbm>>) dst(%dma_wait3A_77 : memref<120x128xf32, #tpu.memory_space<vmem>>)
        tpu.yield
      }) : () -> ()
    } else {
    }
    "tpu.region"() ({
      %run_scoped3A = tpu.sem_alloc : memref<!tpu.dma_semaphore, #tpu.memory_space<semaphore_mem>>
      %dma_start3A = arith.constant 0 : i32
      %dma_start3A_62 = arith.constant 0 : i32
      %dma_start3A_63 = tpu.memref_slice %arg11[%dma_start3A, %dma_start3A_62] : memref<128x128xf32, #tpu.memory_space<vmem>> -> memref<120x128xf32, #tpu.memory_space<vmem>>
      %dma_start3A_64 = arith.constant 0 : i32
      %dma_start3A_65 = arith.constant 0 : i32
      %dma_start3A_66 = tpu.memref_slice %arg10[%dma_start3A_64, %dma_start3A_65] : memref<10112x128xf32, #tpu.memory_space<vmem_shared>> -> memref<10112x128xf32, #tpu.memory_space<vmem_shared>>
      tpu.enqueue_indirect_dma source(%dma_start3A_63 : memref<120x128xf32, #tpu.memory_space<vmem>>) target(%dma_start3A_66 : memref<10112x128xf32, #tpu.memory_space<vmem_shared>>) offsets(%arg14 : memref<120xi32, #tpu.memory_space<vmem>>) semaphore(%run_scoped3A : memref<!tpu.dma_semaphore, #tpu.memory_space<semaphore_mem>>)
      %dma_wait3A = arith.constant 0 : i32
      %dma_wait3A_67 = arith.constant 0 : i32
      %dma_wait3A_68 = tpu.memref_slice %arg11[%dma_wait3A, %dma_wait3A_67] : memref<128x128xf32, #tpu.memory_space<vmem>> -> memref<120x128xf32, #tpu.memory_space<vmem>>
      %dma_wait3A_69 = arith.constant 0 : i32
      %dma_wait3A_70 = arith.constant 0 : i32
      %dma_wait3A_71 = tpu.memref_slice %arg10[%dma_wait3A_69, %dma_wait3A_70] : memref<10112x128xf32, #tpu.memory_space<vmem_shared>> -> memref<10112x128xf32, #tpu.memory_space<vmem_shared>>
      tpu.wait_indirect_dma semaphore(%run_scoped3A : memref<!tpu.dma_semaphore, #tpu.memory_space<semaphore_mem>>) src(%dma_wait3A_68 : memref<120x128xf32, #tpu.memory_space<vmem>>) dst(%dma_wait3A_71 : memref<10112x128xf32, #tpu.memory_space<vmem_shared>>)
      tpu.yield
    }) : () -> ()
    %barrier3A_43 = arith.constant 0 : index
    tpu.barrier barrier_id(%barrier3A_43)
    %scan3A_44 = arith.constant 0 : i32
    %scan3A_45 = arith.constant 0 : i32
    %scan3A_46 = arith.constant 79 : i32
    %scan3A_47 = arith.addi %scan3A_45, %scan3A_46 : i32
    %scan3A_48 = arith.constant 1 : i32
    scf.for %scan3A_62 = %scan3A_45 to %scan3A_47 step %scan3A_48  : i32 {
      %mul3A_63 = arith.constant 79 : i32
      %mul3A_64 = arith.muli %add3A, %mul3A_63 : i32
      %add3A_65 = arith.addi %mul3A_64, %scan3A_62 : i32
      "tpu.region"() ({
        %run_scoped3A = tpu.sem_alloc : memref<!tpu.dma_semaphore, #tpu.memory_space<semaphore_mem>>
        %dma_start3A = arith.constant 0 : i32
        %dma_start3A_66 = tpu.memref_slice %arg3[%add3A_65, %dma_start3A] : memref<2528x128xi32, #tpu.memory_space<hbm>> -> memref<1x128xi32, #tpu.memory_space<hbm>>
        %dma_start3A_67 = tpu.memref_squeeze %dma_start3A_66 : memref<1x128xi32, #tpu.memory_space<hbm>> -> memref<128xi32, #tpu.memory_space<hbm>>
        %dma_start3A_68 = arith.constant 0 : i32
        %dma_start3A_69 = tpu.memref_slice %arg3[%add3A_65, %dma_start3A_68] : memref<2528x128xi32, #tpu.memory_space<hbm>> -> memref<1x128xi32, #tpu.memory_space<hbm>>
        %dma_start3A_70 = tpu.memref_squeeze %dma_start3A_69 : memref<1x128xi32, #tpu.memory_space<hbm>> -> memref<128xi32, #tpu.memory_space<hbm>>
        tpu.enqueue_dma source(%dma_start3A_70 : memref<128xi32, #tpu.memory_space<hbm>>) target(%arg13 : memref<128xi32, #tpu.memory_space<vmem>>) target_semaphore(%run_scoped3A : memref<!tpu.dma_semaphore, #tpu.memory_space<semaphore_mem>>)
        %dma_wait3A = arith.constant 0 : i32
        %dma_wait3A_71 = tpu.memref_slice %arg3[%add3A_65, %dma_wait3A] : memref<2528x128xi32, #tpu.memory_space<hbm>> -> memref<1x128xi32, #tpu.memory_space<hbm>>
        %dma_wait3A_72 = tpu.memref_squeeze %dma_wait3A_71 : memref<1x128xi32, #tpu.memory_space<hbm>> -> memref<128xi32, #tpu.memory_space<hbm>>
        %dma_wait3A_73 = arith.constant 0 : i32
        %dma_wait3A_74 = tpu.memref_slice %arg3[%add3A_65, %dma_wait3A_73] : memref<2528x128xi32, #tpu.memory_space<hbm>> -> memref<1x128xi32, #tpu.memory_space<hbm>>
        %dma_wait3A_75 = tpu.memref_squeeze %dma_wait3A_74 : memref<1x128xi32, #tpu.memory_space<hbm>> -> memref<128xi32, #tpu.memory_space<hbm>>
        tpu.wait_dma2 semaphore(%run_scoped3A : memref<!tpu.dma_semaphore, #tpu.memory_space<semaphore_mem>>) src(%dma_wait3A_75 : memref<128xi32, #tpu.memory_space<hbm>>) dst(%arg13 : memref<128xi32, #tpu.memory_space<vmem>>)
        tpu.yield
      }) : () -> ()
      "tpu.region"() ({
        %run_scoped3A = tpu.sem_alloc : memref<!tpu.dma_semaphore, #tpu.memory_space<semaphore_mem>>
        %dma_start3A = arith.constant 0 : i32
        %dma_start3A_66 = tpu.memref_slice %arg4[%add3A_65, %dma_start3A] : memref<2528x128xi32, #tpu.memory_space<hbm>> -> memref<1x128xi32, #tpu.memory_space<hbm>>
        %dma_start3A_67 = tpu.memref_squeeze %dma_start3A_66 : memref<1x128xi32, #tpu.memory_space<hbm>> -> memref<128xi32, #tpu.memory_space<hbm>>
        %dma_start3A_68 = arith.constant 0 : i32
        %dma_start3A_69 = tpu.memref_slice %arg4[%add3A_65, %dma_start3A_68] : memref<2528x128xi32, #tpu.memory_space<hbm>> -> memref<1x128xi32, #tpu.memory_space<hbm>>
        %dma_start3A_70 = tpu.memref_squeeze %dma_start3A_69 : memref<1x128xi32, #tpu.memory_space<hbm>> -> memref<128xi32, #tpu.memory_space<hbm>>
        tpu.enqueue_dma source(%dma_start3A_70 : memref<128xi32, #tpu.memory_space<hbm>>) target(%arg12 : memref<128xi32, #tpu.memory_space<vmem>>) target_semaphore(%run_scoped3A : memref<!tpu.dma_semaphore, #tpu.memory_space<semaphore_mem>>)
        %dma_wait3A = arith.constant 0 : i32
        %dma_wait3A_71 = tpu.memref_slice %arg4[%add3A_65, %dma_wait3A] : memref<2528x128xi32, #tpu.memory_space<hbm>> -> memref<1x128xi32, #tpu.memory_space<hbm>>
        %dma_wait3A_72 = tpu.memref_squeeze %dma_wait3A_71 : memref<1x128xi32, #tpu.memory_space<hbm>> -> memref<128xi32, #tpu.memory_space<hbm>>
        %dma_wait3A_73 = arith.constant 0 : i32
        %dma_wait3A_74 = tpu.memref_slice %arg4[%add3A_65, %dma_wait3A_73] : memref<2528x128xi32, #tpu.memory_space<hbm>> -> memref<1x128xi32, #tpu.memory_space<hbm>>
        %dma_wait3A_75 = tpu.memref_squeeze %dma_wait3A_74 : memref<1x128xi32, #tpu.memory_space<hbm>> -> memref<128xi32, #tpu.memory_space<hbm>>
        tpu.wait_dma2 semaphore(%run_scoped3A : memref<!tpu.dma_semaphore, #tpu.memory_space<semaphore_mem>>) src(%dma_wait3A_75 : memref<128xi32, #tpu.memory_space<hbm>>) dst(%arg12 : memref<128xi32, #tpu.memory_space<vmem>>)
        tpu.yield
      }) : () -> ()
      "tpu.region"() ({
        %run_scoped3A = tpu.sem_alloc : memref<!tpu.dma_semaphore, #tpu.memory_space<semaphore_mem>>
        %dma_start3A = arith.constant 0 : i32
        %dma_start3A_66 = arith.constant 0 : i32
        %dma_start3A_67 = tpu.memref_slice %arg2[%dma_start3A, %dma_start3A_66] : memref<10112x128xf32, #tpu.memory_space<hbm>> -> memref<10112x128xf32, #tpu.memory_space<hbm>>
        tpu.enqueue_indirect_dma source(%dma_start3A_67 : memref<10112x128xf32, #tpu.memory_space<hbm>>) target(%arg11 : memref<128x128xf32, #tpu.memory_space<vmem>>) offsets(%arg13 : memref<128xi32, #tpu.memory_space<vmem>>) semaphore(%run_scoped3A : memref<!tpu.dma_semaphore, #tpu.memory_space<semaphore_mem>>)
        %dma_wait3A = arith.constant 0 : i32
        %dma_wait3A_68 = arith.constant 0 : i32
        %dma_wait3A_69 = tpu.memref_slice %arg2[%dma_wait3A, %dma_wait3A_68] : memref<10112x128xf32, #tpu.memory_space<hbm>> -> memref<10112x128xf32, #tpu.memory_space<hbm>>
        tpu.wait_indirect_dma semaphore(%run_scoped3A : memref<!tpu.dma_semaphore, #tpu.memory_space<semaphore_mem>>) src(%dma_wait3A_69 : memref<10112x128xf32, #tpu.memory_space<hbm>>) dst(%arg11 : memref<128x128xf32, #tpu.memory_space<vmem>>)
        tpu.yield
      }) : () -> ()
      "tpu.region"() ({
        %run_scoped3A = tpu.sem_alloc : memref<!tpu.dma_semaphore, #tpu.memory_space<semaphore_mem>>
        %dma_start3A = arith.constant 0 : i32
        %dma_start3A_66 = arith.constant 0 : i32
        %dma_start3A_67 = tpu.memref_slice %arg10[%dma_start3A, %dma_start3A_66] : memref<10112x128xf32, #tpu.memory_space<vmem_shared>> -> memref<10112x128xf32, #tpu.memory_space<vmem_shared>>
        tpu.enqueue_indirect_dma source(%arg11 : memref<128x128xf32, #tpu.memory_space<vmem>>) target(%dma_start3A_67 : memref<10112x128xf32, #tpu.memory_space<vmem_shared>>) offsets(%arg12 : memref<128xi32, #tpu.memory_space<vmem>>) semaphore(%run_scoped3A : memref<!tpu.dma_semaphore, #tpu.memory_space<semaphore_mem>>) {add = true}
        %dma_wait3A = arith.constant 0 : i32
        %dma_wait3A_68 = arith.constant 0 : i32
        %dma_wait3A_69 = tpu.memref_slice %arg10[%dma_wait3A, %dma_wait3A_68] : memref<10112x128xf32, #tpu.memory_space<vmem_shared>> -> memref<10112x128xf32, #tpu.memory_space<vmem_shared>>
        tpu.wait_indirect_dma semaphore(%run_scoped3A : memref<!tpu.dma_semaphore, #tpu.memory_space<semaphore_mem>>) src(%arg11 : memref<128x128xf32, #tpu.memory_space<vmem>>) dst(%dma_wait3A_69 : memref<10112x128xf32, #tpu.memory_space<vmem_shared>>)
        tpu.yield
      }) : () -> ()
    }
    %scan3A_49 = arith.constant 79 : i32
    %barrier3A_50 = arith.constant 0 : index
    tpu.barrier barrier_id(%barrier3A_50)
    %scan3A_51 = arith.constant 0 : i32
    %scan3A_52 = arith.constant 0 : i32
    %scan3A_53 = arith.constant 4 : i32
    %scan3A_54 = arith.addi %scan3A_52, %scan3A_53 : i32
    %scan3A_55 = arith.constant 1 : i32
    scf.for %scan3A_62 = %scan3A_52 to %scan3A_54 step %scan3A_55  : i32 {
      %mul3A_63 = arith.constant 128 : i32
      %mul3A_64 = arith.muli %scan3A_62, %mul3A_63 : i32
      %add3A_65 = arith.addi %mul3A_2, %mul3A_64 : i32
      "tpu.region"() ({
        %run_scoped3A = tpu.sem_alloc : memref<!tpu.dma_semaphore, #tpu.memory_space<semaphore_mem>>
        %dma_start3A = tpu.memref_slice %arg7[%add3A_65] : memref<10112xi32, #tpu.memory_space<hbm>> -> memref<128xi32, #tpu.memory_space<hbm>>
        %dma_start3A_69 = tpu.memref_slice %arg7[%add3A_65] : memref<10112xi32, #tpu.memory_space<hbm>> -> memref<128xi32, #tpu.memory_space<hbm>>
        tpu.enqueue_dma source(%dma_start3A_69 : memref<128xi32, #tpu.memory_space<hbm>>) target(%arg12 : memref<128xi32, #tpu.memory_space<vmem>>) target_semaphore(%run_scoped3A : memref<!tpu.dma_semaphore, #tpu.memory_space<semaphore_mem>>)
        %dma_wait3A = tpu.memref_slice %arg7[%add3A_65] : memref<10112xi32, #tpu.memory_space<hbm>> -> memref<128xi32, #tpu.memory_space<hbm>>
        %dma_wait3A_70 = tpu.memref_slice %arg7[%add3A_65] : memref<10112xi32, #tpu.memory_space<hbm>> -> memref<128xi32, #tpu.memory_space<hbm>>
        tpu.wait_dma2 semaphore(%run_scoped3A : memref<!tpu.dma_semaphore, #tpu.memory_space<semaphore_mem>>) src(%dma_wait3A_70 : memref<128xi32, #tpu.memory_space<hbm>>) dst(%arg12 : memref<128xi32, #tpu.memory_space<vmem>>)
        tpu.yield
      }) : () -> ()
      "tpu.region"() ({
        %run_scoped3A = tpu.sem_alloc : memref<!tpu.dma_semaphore, #tpu.memory_space<semaphore_mem>>
        %dma_start3A = arith.constant 0 : i32
        %dma_start3A_69 = arith.constant 0 : i32
        %dma_start3A_70 = tpu.memref_slice %arg10[%dma_start3A, %dma_start3A_69] : memref<10112x128xf32, #tpu.memory_space<vmem_shared>> -> memref<10112x128xf32, #tpu.memory_space<vmem_shared>>
        tpu.enqueue_indirect_dma source(%dma_start3A_70 : memref<10112x128xf32, #tpu.memory_space<vmem_shared>>) target(%arg11 : memref<128x128xf32, #tpu.memory_space<vmem>>) offsets(%arg12 : memref<128xi32, #tpu.memory_space<vmem>>) semaphore(%run_scoped3A : memref<!tpu.dma_semaphore, #tpu.memory_space<semaphore_mem>>)
        %dma_wait3A = arith.constant 0 : i32
        %dma_wait3A_71 = arith.constant 0 : i32
        %dma_wait3A_72 = tpu.memref_slice %arg10[%dma_wait3A, %dma_wait3A_71] : memref<10112x128xf32, #tpu.memory_space<vmem_shared>> -> memref<10112x128xf32, #tpu.memory_space<vmem_shared>>
        tpu.wait_indirect_dma semaphore(%run_scoped3A : memref<!tpu.dma_semaphore, #tpu.memory_space<semaphore_mem>>) src(%dma_wait3A_72 : memref<10112x128xf32, #tpu.memory_space<vmem_shared>>) dst(%arg11 : memref<128x128xf32, #tpu.memory_space<vmem>>)
        tpu.yield
      }) : () -> ()
      %mul3A_66 = arith.constant 10112 : i32
      %mul3A_67 = arith.muli %arg0, %mul3A_66 : i32
      %add3A_68 = arith.addi %mul3A_67, %add3A_65 : i32
      "tpu.region"() ({
        %run_scoped3A = tpu.sem_alloc : memref<!tpu.dma_semaphore, #tpu.memory_space<semaphore_mem>>
        %dma_start3A = arith.constant 0 : i32
        %dma_start3A_69 = tpu.memref_slice %arg8[%add3A_68, %dma_start3A] : memref<20224x128xf32, #tpu.memory_space<hbm>> -> memref<128x128xf32, #tpu.memory_space<hbm>>
        %dma_start3A_70 = arith.constant 0 : i32
        %dma_start3A_71 = tpu.memref_slice %arg8[%add3A_68, %dma_start3A_70] : memref<20224x128xf32, #tpu.memory_space<hbm>> -> memref<128x128xf32, #tpu.memory_space<hbm>>
        tpu.enqueue_dma source(%arg11 : memref<128x128xf32, #tpu.memory_space<vmem>>) target(%dma_start3A_71 : memref<128x128xf32, #tpu.memory_space<hbm>>) target_semaphore(%run_scoped3A : memref<!tpu.dma_semaphore, #tpu.memory_space<semaphore_mem>>)
        %dma_wait3A = arith.constant 0 : i32
        %dma_wait3A_72 = tpu.memref_slice %arg8[%add3A_68, %dma_wait3A] : memref<20224x128xf32, #tpu.memory_space<hbm>> -> memref<128x128xf32, #tpu.memory_space<hbm>>
        %dma_wait3A_73 = arith.constant 0 : i32
        %dma_wait3A_74 = tpu.memref_slice %arg8[%add3A_68, %dma_wait3A_73] : memref<20224x128xf32, #tpu.memory_space<hbm>> -> memref<128x128xf32, #tpu.memory_space<hbm>>
        tpu.wait_dma2 semaphore(%run_scoped3A : memref<!tpu.dma_semaphore, #tpu.memory_space<semaphore_mem>>) src(%arg11 : memref<128x128xf32, #tpu.memory_space<vmem>>) dst(%dma_wait3A_74 : memref<128x128xf32, #tpu.memory_space<hbm>>)
        tpu.yield
      }) : () -> ()
    }
    %scan3A_56 = arith.constant 4 : i32
    %add3A_57 = arith.constant 512 : i32
    %add3A_58 = arith.addi %mul3A_2, %add3A_57 : i32
    "tpu.region"() ({
      %run_scoped3A = tpu.sem_alloc : memref<!tpu.dma_semaphore, #tpu.memory_space<semaphore_mem>>
      %dma_start3A = tpu.memref_slice %arg7[%add3A_58] : memref<10112xi32, #tpu.memory_space<hbm>> -> memref<120xi32, #tpu.memory_space<hbm>>
      %dma_start3A_62 = tpu.memref_slice %arg7[%add3A_58] : memref<10112xi32, #tpu.memory_space<hbm>> -> memref<120xi32, #tpu.memory_space<hbm>>
      tpu.enqueue_dma source(%dma_start3A_62 : memref<120xi32, #tpu.memory_space<hbm>>) target(%arg14 : memref<120xi32, #tpu.memory_space<vmem>>) target_semaphore(%run_scoped3A : memref<!tpu.dma_semaphore, #tpu.memory_space<semaphore_mem>>)
      %dma_wait3A = tpu.memref_slice %arg7[%add3A_58] : memref<10112xi32, #tpu.memory_space<hbm>> -> memref<120xi32, #tpu.memory_space<hbm>>
      %dma_wait3A_63 = tpu.memref_slice %arg7[%add3A_58] : memref<10112xi32, #tpu.memory_space<hbm>> -> memref<120xi32, #tpu.memory_space<hbm>>
      tpu.wait_dma2 semaphore(%run_scoped3A : memref<!tpu.dma_semaphore, #tpu.memory_space<semaphore_mem>>) src(%dma_wait3A_63 : memref<120xi32, #tpu.memory_space<hbm>>) dst(%arg14 : memref<120xi32, #tpu.memory_space<vmem>>)
      tpu.yield
    }) : () -> ()
    "tpu.region"() ({
      %run_scoped3A = tpu.sem_alloc : memref<!tpu.dma_semaphore, #tpu.memory_space<semaphore_mem>>
      %dma_start3A = arith.constant 0 : i32
      %dma_start3A_62 = arith.constant 0 : i32
      %dma_start3A_63 = tpu.memref_slice %arg11[%dma_start3A, %dma_start3A_62] : memref<128x128xf32, #tpu.memory_space<vmem>> -> memref<120x128xf32, #tpu.memory_space<vmem>>
      %dma_start3A_64 = arith.constant 0 : i32
      %dma_start3A_65 = arith.constant 0 : i32
      %dma_start3A_66 = tpu.memref_slice %arg10[%dma_start3A_64, %dma_start3A_65] : memref<10112x128xf32, #tpu.memory_space<vmem_shared>> -> memref<10112x128xf32, #tpu.memory_space<vmem_shared>>
      tpu.enqueue_indirect_dma source(%dma_start3A_66 : memref<10112x128xf32, #tpu.memory_space<vmem_shared>>) target(%dma_start3A_63 : memref<120x128xf32, #tpu.memory_space<vmem>>) offsets(%arg14 : memref<120xi32, #tpu.memory_space<vmem>>) semaphore(%run_scoped3A : memref<!tpu.dma_semaphore, #tpu.memory_space<semaphore_mem>>)
      %dma_wait3A = arith.constant 0 : i32
      %dma_wait3A_67 = arith.constant 0 : i32
      %dma_wait3A_68 = tpu.memref_slice %arg11[%dma_wait3A, %dma_wait3A_67] : memref<128x128xf32, #tpu.memory_space<vmem>> -> memref<120x128xf32, #tpu.memory_space<vmem>>
      %dma_wait3A_69 = arith.constant 0 : i32
      %dma_wait3A_70 = arith.constant 0 : i32
      %dma_wait3A_71 = tpu.memref_slice %arg10[%dma_wait3A_69, %dma_wait3A_70] : memref<10112x128xf32, #tpu.memory_space<vmem_shared>> -> memref<10112x128xf32, #tpu.memory_space<vmem_shared>>
      tpu.wait_indirect_dma semaphore(%run_scoped3A : memref<!tpu.dma_semaphore, #tpu.memory_space<semaphore_mem>>) src(%dma_wait3A_71 : memref<10112x128xf32, #tpu.memory_space<vmem_shared>>) dst(%dma_wait3A_68 : memref<120x128xf32, #tpu.memory_space<vmem>>)
      tpu.yield
    }) : () -> ()
    %mul3A_59 = arith.constant 10112 : i32
    %mul3A_60 = arith.muli %arg0, %mul3A_59 : i32
    %add3A_61 = arith.addi %mul3A_60, %add3A_58 : i32
    "tpu.region"() ({
      %run_scoped3A = tpu.sem_alloc : memref<!tpu.dma_semaphore, #tpu.memory_space<semaphore_mem>>
      %dma_start3A = arith.constant 0 : i32
      %dma_start3A_62 = arith.constant 0 : i32
      %dma_start3A_63 = tpu.memref_slice %arg11[%dma_start3A, %dma_start3A_62] : memref<128x128xf32, #tpu.memory_space<vmem>> -> memref<120x128xf32, #tpu.memory_space<vmem>>
      %dma_start3A_64 = arith.constant 0 : i32
      %dma_start3A_65 = tpu.memref_slice %arg8[%add3A_61, %dma_start3A_64] : memref<20224x128xf32, #tpu.memory_space<hbm>> -> memref<120x128xf32, #tpu.memory_space<hbm>>
      %dma_start3A_66 = arith.constant 0 : i32
      %dma_start3A_67 = tpu.memref_slice %arg8[%add3A_61, %dma_start3A_66] : memref<20224x128xf32, #tpu.memory_space<hbm>> -> memref<120x128xf32, #tpu.memory_space<hbm>>
      %dma_start3A_68 = arith.constant 0 : i32
      %dma_start3A_69 = arith.constant 0 : i32
      %dma_start3A_70 = tpu.memref_slice %arg11[%dma_start3A_68, %dma_start3A_69] : memref<128x128xf32, #tpu.memory_space<vmem>> -> memref<120x128xf32, #tpu.memory_space<vmem>>
      tpu.enqueue_dma source(%dma_start3A_70 : memref<120x128xf32, #tpu.memory_space<vmem>>) target(%dma_start3A_67 : memref<120x128xf32, #tpu.memory_space<hbm>>) target_semaphore(%run_scoped3A : memref<!tpu.dma_semaphore, #tpu.memory_space<semaphore_mem>>)
      %dma_wait3A = arith.constant 0 : i32
      %dma_wait3A_71 = arith.constant 0 : i32
      %dma_wait3A_72 = tpu.memref_slice %arg11[%dma_wait3A, %dma_wait3A_71] : memref<128x128xf32, #tpu.memory_space<vmem>> -> memref<120x128xf32, #tpu.memory_space<vmem>>
      %dma_wait3A_73 = arith.constant 0 : i32
      %dma_wait3A_74 = tpu.memref_slice %arg8[%add3A_61, %dma_wait3A_73] : memref<20224x128xf32, #tpu.memory_space<hbm>> -> memref<120x128xf32, #tpu.memory_space<hbm>>
      %dma_wait3A_75 = arith.constant 0 : i32
      %dma_wait3A_76 = tpu.memref_slice %arg8[%add3A_61, %dma_wait3A_75] : memref<20224x128xf32, #tpu.memory_space<hbm>> -> memref<120x128xf32, #tpu.memory_space<hbm>>
      %dma_wait3A_77 = arith.constant 0 : i32
      %dma_wait3A_78 = arith.constant 0 : i32
      %dma_wait3A_79 = tpu.memref_slice %arg11[%dma_wait3A_77, %dma_wait3A_78] : memref<128x128xf32, #tpu.memory_space<vmem>> -> memref<120x128xf32, #tpu.memory_space<vmem>>
      tpu.wait_dma2 semaphore(%run_scoped3A : memref<!tpu.dma_semaphore, #tpu.memory_space<semaphore_mem>>) src(%dma_wait3A_79 : memref<120x128xf32, #tpu.memory_space<vmem>>) dst(%dma_wait3A_76 : memref<120x128xf32, #tpu.memory_space<hbm>>)
      tpu.yield
    }) : () -> ()
    return
  }
}

module attributes {stable_mosaic.version = 14 : i64} {
  func.func @body(%arg0: i32, %arg1: memref<632x128xf32, #tpu.memory_space<vmem>>, %arg2: memref<128x128xf32, #tpu.memory_space<vmem>>, %arg3: memref<632x128xf32, #tpu.memory_space<vmem>>) attributes {dimension_semantics = [#tpu.dimension_semantics<arbitrary>], iteration_bounds = array<i64: 16>, scalar_prefetch = 0 : i64, scratch_operands = 0 : i64, tpu.core_type = #tpu.core_type<tc>, window_params = [{transform_indices = @transform_0, window_bounds = array<i64: 632, 128>}, {pipeline_mode = #tpu.pipeline_mode<synchronous>, transform_indices = @transform_1, window_bounds = array<i64: 128, 128>}, {transform_indices = @transform_2, window_bounds = array<i64: 632, 128>}]} {
    %get3A = arith.constant 0 : index
    %get3A_0 = arith.constant 0 : index
    %get3A_1 = vector.load %arg1[%get3A, %get3A_0] : memref<632x128xf32, #tpu.memory_space<vmem>>, vector<632x128xf32>
    %get3A_2 = arith.constant 0 : index
    %get3A_3 = arith.constant 0 : index
    %get3A_4 = vector.load %arg2[%get3A_2, %get3A_3] : memref<128x128xf32, #tpu.memory_space<vmem>>, vector<128x128xf32>
    %dot_general3A = arith.constant dense<0.000000e+00> : vector<632x128xf32>
    %dot_general3A_5 = tpu.matmul %get3A_1, %get3A_4, %dot_general3A {dimension_numbers = #tpu.dot_dimension_numbers<[1], [0], [0], [1], [0, 0, 1, 1], [], []>, transpose_lhs_hint = false} : vector<632x128xf32>, vector<128x128xf32>, vector<632x128xf32> -> vector<632x128xf32>
    %swap3A = arith.constant 0 : index
    %swap3A_6 = arith.constant 0 : index
    %swap3A_7 = vector.load %arg3[%swap3A, %swap3A_6] : memref<632x128xf32, #tpu.memory_space<vmem>>, vector<632x128xf32>
    tpu.vector_store %arg3[%swap3A, %swap3A_6], %dot_general3A_5 {strides = array<i32>} : memref<632x128xf32, #tpu.memory_space<vmem>>, vector<632x128xf32>,
    return
  }
  func.func @transform_0(%arg0: i32) -> (i32, i32) {
    %c0_i32 = arith.constant 0 : i32
    %c0_i32_0 = arith.constant 0 : i32
    return %arg0, %c0_i32 : i32, i32
  }
  func.func @transform_1(%arg0: i32) -> (i32, i32) {
    %c0_i32 = arith.constant 0 : i32
    %c0_i32_0 = arith.constant 0 : i32
    %c0_i32_1 = arith.constant 0 : i32
    return %c0_i32, %c0_i32_0 : i32, i32
  }
  func.func @transform_2(%arg0: i32) -> (i32, i32) {
    %c0_i32 = arith.constant 0 : i32
    %c0_i32_0 = arith.constant 0 : i32
    return %arg0, %c0_i32 : i32, i32
  }
}

module attributes {stable_mosaic.version = 14 : i64} {
  func.func @body(%arg0: i32, %arg1: memref<2x632x128xf32, #tpu.memory_space<vmem>>, %arg2: memref<2x632x128xf32, #tpu.memory_space<vmem>>, %arg3: memref<1x128xf32, #tpu.memory_space<vmem>>, %arg4: memref<632x128xf32, #tpu.memory_space<vmem>>) attributes {dimension_semantics = [#tpu.dimension_semantics<arbitrary>], iteration_bounds = array<i64: 16>, scalar_prefetch = 0 : i64, scratch_operands = 0 : i64, tpu.core_type = #tpu.core_type<tc>, window_params = [{transform_indices = @transform_0, window_bounds = array<i64: 2, 632, 128>}, {transform_indices = @transform_1, window_bounds = array<i64: 2, 632, 128>}, {pipeline_mode = #tpu.pipeline_mode<synchronous>, transform_indices = @transform_2, window_bounds = array<i64: 1, 128>}, {transform_indices = @transform_3, window_bounds = array<i64: 632, 128>}]} {
    %get3A = arith.constant 0 : index
    %get3A_0 = arith.constant 0 : index
    %get3A_1 = arith.constant 0 : index
    %get3A_2 = vector.load %arg1[%get3A, %get3A_0, %get3A_1] : memref<2x632x128xf32, #tpu.memory_space<vmem>>, vector<1x632x128xf32>
    %get3A_3 = vector.shape_cast %get3A_2 : vector<1x632x128xf32> to vector<632x128xf32>
    %get3A_4 = arith.constant 1 : index
    %get3A_5 = arith.constant 0 : index
    %get3A_6 = arith.constant 0 : index
    %get3A_7 = vector.load %arg1[%get3A_4, %get3A_5, %get3A_6] : memref<2x632x128xf32, #tpu.memory_space<vmem>>, vector<1x632x128xf32>
    %get3A_8 = vector.shape_cast %get3A_7 : vector<1x632x128xf32> to vector<632x128xf32>
    %add3A = arith.addf %get3A_3, %get3A_8 : vector<632x128xf32>
    %get3A_9 = arith.constant 0 : index
    %get3A_10 = arith.constant 0 : index
    %get3A_11 = arith.constant 0 : index
    %get3A_12 = vector.load %arg2[%get3A_9, %get3A_10, %get3A_11] : memref<2x632x128xf32, #tpu.memory_space<vmem>>, vector<1x632x1xf32>
    %get3A_13 = vector.shape_cast %get3A_12 : vector<1x632x1xf32> to vector<632x1xf32>
    %get3A_14 = arith.constant 1 : index
    %get3A_15 = arith.constant 0 : index
    %get3A_16 = arith.constant 0 : index
    %get3A_17 = vector.load %arg2[%get3A_14, %get3A_15, %get3A_16] : memref<2x632x128xf32, #tpu.memory_space<vmem>>, vector<1x632x1xf32>
    %get3A_18 = vector.shape_cast %get3A_17 : vector<1x632x1xf32> to vector<632x1xf32>
    %add3A_19 = arith.addf %get3A_13, %get3A_18 : vector<632x1xf32>
    %sub3A = arith.constant 1.000000e+00 : f32
    %sub3A_20 = vector.broadcast %sub3A : f32 to vector<632x1xf32>
    %sub3A_21 = arith.subf %add3A_19, %sub3A_20 : vector<632x1xf32>
    %div3A = arith.constant 1.000000e+00 : f32
    %div3A_22 = vector.broadcast %div3A : f32 to vector<632x1xf32>
    %div3A_23 = arith.divf %div3A_22, %sub3A_21 : vector<632x1xf32>
    %mul3A = vector.broadcast %div3A_23 : vector<632x1xf32> to vector<632x128xf32>
    %mul3A_24 = arith.mulf %add3A, %mul3A : vector<632x128xf32>
    %get3A_25 = arith.constant 0 : index
    %get3A_26 = arith.constant 0 : index
    %get3A_27 = vector.load %arg3[%get3A_25, %get3A_26] : memref<1x128xf32, #tpu.memory_space<vmem>>, vector<1x128xf32>
    %add3A_28 = vector.broadcast %get3A_27 : vector<1x128xf32> to vector<632x128xf32>
    %add3A_29 = arith.addf %mul3A_24, %add3A_28 : vector<632x128xf32>
    %swap3A = arith.constant 0 : index
    %swap3A_30 = arith.constant 0 : index
    %swap3A_31 = vector.load %arg4[%swap3A, %swap3A_30] : memref<632x128xf32, #tpu.memory_space<vmem>>, vector<632x128xf32>
    tpu.vector_store %arg4[%swap3A, %swap3A_30], %add3A_29 {strides = array<i32>} : memref<632x128xf32, #tpu.memory_space<vmem>>, vector<632x128xf32>,
    return
  }
  func.func @transform_0(%arg0: i32) -> (i32, i32, i32) {
    %c0_i32 = arith.constant 0 : i32
    %c0_i32_0 = arith.constant 0 : i32
    %c0_i32_1 = arith.constant 0 : i32
    return %c0_i32, %arg0, %c0_i32_0 : i32, i32, i32
  }
  func.func @transform_1(%arg0: i32) -> (i32, i32, i32) {
    %c0_i32 = arith.constant 0 : i32
    %c0_i32_0 = arith.constant 0 : i32
    %c0_i32_1 = arith.constant 0 : i32
    return %c0_i32, %arg0, %c0_i32_0 : i32, i32, i32
  }
  func.func @transform_2(%arg0: i32) -> (i32, i32) {
    %c0_i32 = arith.constant 0 : i32
    %c0_i32_0 = arith.constant 0 : i32
    %c0_i32_1 = arith.constant 0 : i32
    return %c0_i32, %c0_i32_0 : i32, i32
  }
  func.func @transform_3(%arg0: i32) -> (i32, i32) {
    %c0_i32 = arith.constant 0 : i32
    %c0_i32_0 = arith.constant 0 : i32
    return %arg0, %c0_i32 : i32, i32
  }
}

</mosaic_0001>

<sc_bundles>
// kernel: kernel.5.cloned.1.call-start
scs
__scs_entry_jumppad:
0x0: {  	(pc) =	sbr.rel $0x88, $3  }
0x1: {  	(tag) =	ssettag $0x0;
	lr =	simm.s32 $0x1  }
0x2: {  	[smem:$0x3F9D] =	sst lr;
	_ =	strace $0xD0000000  }
0x3: {  	_ = 	snop  }
0x4: {  	_ = 	snop  }
0x5: {  	_ = 	snop  }
0x6: {  	_ = 	snop  }
0x7: {  	_ = 	snop  }
__scs_overlays_trampoline_lowered:
0x8: {  	[smem:$0x3FAC] =	sst s0  }
0x9: {  	[smem:$0x3FAD] =	sst s1  }
0xa: {  	[smem:$0x3FAE] =	sst s2  }
0xb: {  	[smem:$0x3FAF] =	sst s3  }
0xc: {  	[smem:$0x3FB0] =	sst s4  }
0xd: {  	[smem:$0x3FB1] =	sst s5  }
0xe: {  	[smem:$0x3FB2] =	sst s6  }
0xf: {  	[smem:$0x3FB3] =	sst s7  }
0x10: {  	[smem:$0x3FB4] =	sst s8  }
0x11: {  	[smem:$0x3FB5] =	sst s9;
	s0 =	simm.s32 @!p0 $0x0  }
0x12: {  	s1 =	sld [smem:$0x3F9B];
	s0 =	simm.s32 @p0 $0x1  }
0x13: {  	[smem:$0x3FB6] =	sst s0;
	s0 =	simm.s32 @!p1 $0x0  }
0x14: {  	s2 =	sld [smem:$0x3F9A];
	s0 =	simm.s32 @p1 $0x1  }
0x15: {  	[smem:$0x3FB7] =	sst s0;
	s0 =	simm.s32 @!p2 $0x0  }
0x16: {  	s3 =	sld [smem:$0x3FDB];
	s0 =	simm.s32 @p2 $0x1  }
0x17: {  	s4 =	simm.s32 $0x1BF5;
	[smem:$0x3FB9] =	sst s0  }
0x18: {  	s0 =	sld [smem:$0x3F9C];
	_ =	swait.ge [sflag:s4], $0x0  }
0x19: {  	s7 =	sld [smem:$0x3F9D]  }
0x1a: {  	s8 =	sadd.s32 $0xFFFFE003, lr  }
0x1b: {  	s9 =	sadd.s32 $0xFFFFFEF7, lr;
	s5 =	simm.s32 $0xFFFFFFFF;
	p2 =	slt.u32 s8, $0xFFFFF086  }
0x1c: {  	p1 =	slt.u32 s9, $0xF7A;
	s5 =	simm.s32 @!p2 $0x0  }
0x1d: {  	s5 =	simm.s32 @p1 $0x1;
	p0 =	seq.s32 s7, s2  }
0x1e: {  	s7 =	smul.u32 @!p0 $0xF7A, s2;
	p2 =	seq.s32 @!p0 s5, $0x0  }
0x1f: {  	s9 =	smul.u32 $0xF7A, s1;
	s8 =	simm.s32 @!p0 $0x1BF5;
	p2 =	por !p2, p0  }
0x20: {  	[sflag:s8] =	ssyncset.s32 @!p0 $0xFFFFF086;
	s6 =	sadd.s32 @!p0 s3, s7;
	s7 =	simm.s32 @!p0 $0x108  }
0x21: {  	s3 =	sadd.s32 s3, s9;
	s6 =	sadd.s32 @!p0 $0x88, s6;
	s7 =	simm.s32 @p2 $0x1082  }
0x22: {  	[simem:s7], [sflag:s8] =	dma.local @!p0 [hbm:s6], $0xF7A  }
0x23: {  	s9 =	sor.u32 $0xD0000000, s2;
	s6 =	simm.s32 $0x108;
	_ =	swait.ge @!p0 [sflag:s8], $0x0  }
0x24: {  	s3 =	sadd.s32 $0x88, s3;
	s6 =	simm.s32 @!p1 $0x1082;
	[sflag:s4] =	ssyncset.s32 $0xFFFFF086  }
0x25: {  	[simem:s6], [sflag:s4] =	dma.local [hbm:s3], $0xF7A  }
0x26: {  	[smem:$0x3F9D] =	sst s1;
	(tag) =	ssettag s2;
	_ =	strace s9  }
0x27: {  	s1 =	sld [smem:$0x3FAD]  }
0x28: {  	s2 =	sld [smem:$0x3FAE]  }
0x29: {  	s4 =	sld [smem:$0x3FB0]  }
0x2a: {  	p0 =	seq.s32 s5, $0x0;
	s5 =	sld [smem:$0x3FB1]  }
0x2b: {  	s6 =	sld [smem:$0x3FB2]  }
0x2c: {  	s7 =	sld [smem:$0x3FB3]  }
0x2d: {  	s3 =	simm.s32 $0x108;
	s8 =	sld [smem:$0x3FB4]  }
0x2e: {  	s3 =	simm.s32 @!p0 $0x1082;
	s9 =	sld [smem:$0x3FB5]  }
0x2f: {  	lr =	sadd.s32 s0, s3;
	s0 =	sld [smem:$0x3FAC]  }
0x30: {  	s3 =	sld [smem:$0x3FAF]  }
0x31: {  	[smem:$0x3FB8] =	sst s10  }
0x32: {  	s10 =	sld [smem:$0x3FB6];
	_ =	sdelay $0x3  }
0x33: {  	p0 =	seq.s32 s10, $0x1;
	s10 =	sld [smem:$0x3FB8];
	_ =	sdelay $0x3  }
0x34: {  	[smem:$0x3FB8] =	sst s10  }
0x35: {  	s10 =	sld [smem:$0x3FB7];
	_ =	sdelay $0x3  }
0x36: {  	p1 =	seq.s32 s10, $0x1;
	s10 =	sld [smem:$0x3FB8];
	_ =	sdelay $0x3  }
0x37: {  	[smem:$0x3FB8] =	sst s10  }
0x38: {  	s10 =	sld [smem:$0x3FB9]  }
0x39: {  	_ = 	snop;
	(pc) =	sbr.ind lr, $3  }
0x3a: {  	_ = 	snop  }
0x3b: {  	_ = 	snop  }
0x3c: {  	p2 =	seq.s32 s10, $0x1;
	s10 =	sld [smem:$0x3FB8]  }
0x3d: {  	_ =	shalt  }
0x3e: {  	_ =	shalt  }
0x3f: {  	_ =	shalt  }
0x40: {  	_ =	shalt  }
0x41: {  	_ =	shalt  }
0x42: {  	_ =	shalt  }
0x43: {  	_ =	shalt  }
0x44: {  	_ =	shalt  }
0x45: {  	_ =	shalt  }
0x46: {  	_ =	shalt  }
0x47: {  	_ =	shalt  }
0x48: {  	_ =	shalt  }
0x49: {  	_ =	shalt  }
0x4a: {  	_ =	shalt  }
0x4b: {  	_ =	shalt  }
0x4c: {  	_ =	shalt  }
0x4d: {  	_ =	shalt  }
0x4e: {  	_ =	shalt  }
0x4f: {  	_ =	shalt  }
0x50: {  	_ =	shalt  }
0x51: {  	_ =	shalt  }
0x52: {  	_ =	shalt  }
0x53: {  	_ =	shalt  }
0x54: {  	_ =	shalt  }
0x55: {  	_ =	shalt  }
0x56: {  	_ =	shalt  }
0x57: {  	_ =	shalt  }
0x58: {  	_ =	shalt  }
0x59: {  	_ =	shalt  }
0x5a: {  	_ =	shalt  }
0x5b: {  	_ =	shalt  }
0x5c: {  	_ =	shalt  }
0x5d: {  	_ =	shalt  }
0x5e: {  	_ =	shalt  }
0x5f: {  	_ =	shalt  }
0x60: {  	_ =	shalt  }
0x61: {  	_ =	shalt  }
0x62: {  	_ =	shalt  }
0x63: {  	_ =	shalt  }
0x64: {  	_ =	shalt  }
0x65: {  	_ =	shalt  }
0x66: {  	_ =	shalt  }
0x67: {  	_ =	shalt  }
0x68: {  	_ =	shalt  }
0x69: {  	_ =	shalt  }
0x6a: {  	_ =	shalt  }
0x6b: {  	_ =	shalt  }
0x6c: {  	_ =	shalt  }
0x6d: {  	_ =	shalt  }
0x6e: {  	_ =	shalt  }
0x6f: {  	_ =	shalt  }
0x70: {  	_ =	shalt  }
0x71: {  	_ =	shalt  }
0x72: {  	_ =	shalt  }
0x73: {  	_ =	shalt  }
0x74: {  	_ =	shalt  }
0x75: {  	_ =	shalt  }
0x76: {  	_ =	shalt  }
0x77: {  	_ =	shalt  }
0x78: {  	_ =	shalt  }
0x79: {  	_ =	shalt  }
0x7a: {  	_ =	shalt  }
0x7b: {  	_ =	shalt  }
0x7c: {  	_ =	shalt  }
0x7d: {  	_ =	shalt  }
0x7e: {  	_ =	shalt  }
0x7f: {  	_ =	shalt  }
0x80: {  	_ =	shalt  }
0x81: {  	_ =	shalt  }
0x82: {  	_ =	shalt  }
0x83: {  	_ =	shalt  }
0x84: {  	_ =	shalt  }
0x85: {  	_ =	shalt  }
0x86: {  	_ =	shalt  }
0x87: {  	_ =	shalt  }
.Lfunc_end0:
.L_simem_size_0:
called_computation_lowered:
.L_overlay_start_0:
0x88: {  	s2 =	sld [smem:$0x3FD9]  }
0x89: {  	s3 =	sld [smem:$0x3FFE];
	_ =	sdelay $0x1  }
0x8a: {  	s1 =	srdreg.scid  }
0x8b: {  	s0 =	sand.u32 $0x1, s1  }
0x8c: {  	s17 =	sshll.u32 s0, $0xA;
	s2 =	sadd.s32 s3, s2  }
0x8d: {  	s2 =	sadd.s32 s2, s17  }
0x8e: {  	[smem:$0x3FC4] =	sst s2  }
0x8f: {  	_ = 	snop  }
0x90: {  	s2 =	sld [smem:$0x3FD0];
	(tm) =	ssettm $0x1  }
0x91: {  	s18 =	sld [smem:$0x3FFB];
	_ =	sdelay $0x3  }
0x92: {  	_ =	strace s18  }
0x93: {  	s3 =	sld [smem:$0x3FFC];
	_ =	sdelay $0x3  }
0x94: {  	_ =	strace s3  }
0x95: {  	s3 =	sld [smem:$0x3FFD];
	_ =	sdelay $0x3  }
0x96: {  	_ =	strace s3  }
0x97: {  	_ =	strace $0x8FFFFFFF  }
0x98: {  	s19 =	sld [smem:$0x3FDB];
	_ =	sdelay $0x1  }
0x99: {  	s4 =	simm.s32 $_scs_section_size  }
0x9a: {  	s5 =	simm.s32 $_size__tile_overlayer_lowered;
	s6 =	simm.s32 $_tile_overlayer_lowered  }
0x9b: {  	s22 =	simm.s32 $0x1BFF;
	s21 =	sshll.u32 s6, $0x1;
	s3 =	sadd.s32 s4, s19  }
0x9c: {  	s7 =	simm.s32 $0x0;
	s20 =	sshll.u32 s5, $0x1;
	s5 =	sadd.s32 s21, s3  }
0x9d: {  	[timem:s7], [sflag:s22] =	dma.local [hbm:s5], s20  }
0x9e: {  	_ =	swait.ge [sflag:s22], s20  }
0x9f: {  	s4 =	ssub.s32 $0x0, s20;
	[sflag:s22] =	ssyncset.done $0x0  }
0xa0: {  	[sflag:s22] =	ssyncadd.s32 s4;
	_ =	sdelay $0x1  }
0xa1: {  	s23 =	simm.s32 $0x1B8B  }
0xa2: {  	_ =	swait.ge [sflag:s23], $0x1  }
0xa3: {  	[sflag:s23] =	ssyncset.done $0x0  }
0xa4: {  	s25 =	simm.s32 $0x1B8E;
	s24 =	sld [smem:$0x3FFE];
	[sflag:s23] =	ssyncadd.s32 $0xFFFFFFFF  }
0xa5: {  	s26 =	simm.s32 $execute0_lowered;
	[smem:$0x3FD2] =	sst s25  }
0xa6: {  	s5 =	sshll.u32 s26, $0x1;
	_ =	strace $0x80000046;
	[dreg:$0x1] =	wrdreg $0xFFFFFFFF  }
0xa7: {  	s28 =	simm.s32 $_size_execute0_lowered;
	s3 =	sadd.s32 s3, s5;
	[dreg:$0x0] =	wrdreg $0x0  }
0xa8: {  	s5 =	sshll.u32 s28, $0x1;
	[dreg:$0x2] =	wrdreg s3  }
0xa9: {  	[dreg:$0x3] =	wrdreg s5  }
0xaa: {  	[dreg:$0x4] =	wrdreg $0xC0  }
0xab: {  	_ =	task [dreg:s7], $0x5FFFF  }
0xac: {  	[dreg:$0x1] =	wrdreg $0xFFFFFFFF  }
0xad: {  	[dreg:$0x0] =	wrdreg $0x60  }
0xae: {  	[dreg:$0x2] =	wrdreg s24  }
0xaf: {  	[dreg:$0x3] =	wrdreg s2  }
0xb0: {  	[dreg:$0x4] =	wrdreg $0x0  }
0xb1: {  	[dreg:$0x5] =	wrdreg $0x9  }
0xb2: {  	_ =	task.clear_ibuf [dreg:s7], $0x6FFFF;
	_ =	strace $0x90000046  }
0xb3: {  	s29 =	simm.s32 $0x9;
	_ =	strace $0x80000048  }
0xb4: {  	_ =	swait.ge [sflag:s29], $0x1  }
0xb5: {  	[sflag:s29] =	ssyncadd.s32 $0xFFFFFFFF  }
0xb6: {  	_ =	strace $0x90000048  }
0xb7: {  	_ =	sfence  }
0xb8: {  	s30 =	sld [smem:$0x0];
	_ =	sdelay $0x2  }
0xb9: {  	s31 =	sshll.u32 s1, $0xD;
	s1 =	sshrl.u32 s1, $0x2  }
0xba: {  	s3 =	sand.u32 $0x4000, s31;
	s1 =	sadd.s32 s1, s30  }
0xbb: {  	s0 =	sor.u32 s3, s0;
	s1 =	sshll.u32 s1, $0x11  }
0xbc: {  	s0 =	sor.u32 s1, s0  }
0xbd: {  	s0 =	sadd.s32 $0x8F2B, s0  }
0xbe: {  	[sflag:s0] =	ssyncadd.remote.s32 $0x1  }
0xbf: {  	_ =	sfence.sel $0xFFFF  }
0xc0: {  	[dreg:$0x0] =	wrdreg $0xFFFFFFFF;
	(pc) =	sbr.abs _section_cstart, $3  }
0xc1: {  	[dreg:$0x1] =	wrdreg $0xFFFFFFFF  }
0xc2: {  	_ =	task.clear_ibuf [dreg:s7], $0x2FFFF;
	_ =	strace $0x9FFFFFFF  }
0xc3: {  	(tm) =	ssettm $0x7FFFFFFF  }
tec
execute0_lowered:
.L_overlay_start_1:
0x0: {  	(tag) =	ssettag $0x1  }
0x1: {  	s0 =	srdreg.scid;
	s2 =	rddreg [dreg:$0x0]  }
0x2: {  	s21 =	stileid.u32;
	s8 =	rddreg [dreg:$0x1];
	s31 =	simm.s32 $0x13C00  }
0x3: {  	s0 =	sand.u32 $0x1, s0;
	s7 =	sadd.s32 $0x32600, s2;
	s6 =	smul.u32 $0x278, s21  }
0x4: {  	s9 =	sadd.s32 $0x33C00, s2;
	s11 =	sadd.s32 $0x82C00, s2;
	s3 =	smul.u32 $0x4F00, s0  }
0x5: {  	s1 =	ssub.s32 $0x2, s0;
	s10 =	smul.u32 $0x2780, s0;
	p0 =	seq.s32 s0, $0x0  }
0x6: {  	p1 =	sne.s32 s0, $0x0;
	s0 =	simm.s32 $0x17C00;
	s4 =	sshrl.u32 s1, $0x1  }
0x7: {  	s12 =	sadd.s32 $0x200, s6;
	s26 =	sadd.s32 $0x80, s6;
	s15 =	sshrl.u32 s6, $0x3  }
0x8: {  	s28 =	sadd.s32 $0x100, s6;
	s29 =	sadd.s32 $0x180, s6;
	s17 =	ssub.s32 s1, s4  }
0x9: {  	s13 =	sshrl.u32 s12, $0x3;
	s14 =	sadd.s32 s10, s12;
	s6 =	sadd.s32 s10, s6  }
0xa: {  	s16 =	sshrl.u32 s28, $0x3;
	s19 =	sadd.s32 s10, s26;
	s20 =	sadd.s32 s10, s28  }
0xb: {  	s10 =	sadd.s32 s10, s29;
	s8 =	sadd.s32 s3, s8;
	s4 =	sshll.u32 s14, $0x4  }
0xc: {  	s1 =	sadd.s32 s7, s13;
	s13 =	sshrl.u32 s26, $0x3;
	s5 =	sadd.s32 s11, s4  }
0xd: {  	s14 =	sshrl.u32 s29, $0x3;
	s4 =	sadd.s32 s9, s4;
	[dreg:$0x4] =	wrdreg s5  }
0xe: {  	[dreg:$0x5] =	wrdreg s4;
	s4 =	sadd.s32 s7, s15;
	s5 =	sadd.s32 s7, s13  }
0xf: {  	s15 =	sshll.u32 s6, $0x4;
	s6 =	sadd.s32 s7, s16;
	s7 =	sadd.s32 s7, s14  }
0x10: {  	s13 =	sshll.u32 s19, $0x4;
	s19 =	rddreg [dreg:$0x2];
	s18 =	sadd.s32 s11, s15  }
0x11: {  	s14 =	sshll.u32 s20, $0x4;
	s16 =	sadd.s32 s11, s13;
	[dreg:$0x6] =	wrdreg s18  }
0x12: {  	s10 =	sshll.u32 s10, $0x4;
	s22 =	sadd.s32 s11, s14;
	[dreg:$0x7] =	wrdreg s16  }
0x13: {  	s3 =	sadd.s32 s3, s2;
	s11 =	sadd.s32 s11, s10;
	[dreg:$0x8] =	wrdreg s22  }
0x14: {  	s20 =	sadd.s32 $0xAE00, s2;
	s23 =	sadd.s32 s9, s15;
	[dreg:$0x9] =	wrdreg s11  }
0x15: {  	s24 =	sadd.s32 s9, s13;
	s25 =	sadd.s32 s9, s14;
	[dreg:$0xa] =	wrdreg s23  }
0x16: {  	s9 =	sadd.s32 s9, s10;
	s10 =	smul.u32 $0x4F0, s21;
	[dreg:$0xb] =	wrdreg s24  }
0x17: {  	s13 =	sshll.u32 s12, $0x4;
	s14 =	sshll.u32 s26, $0x4;
	[dreg:$0xc] =	wrdreg s25  }
0x18: {  	s15 =	sshll.u32 s28, $0x4;
	[dreg:$0xd] =	wrdreg s9;
	s16 =	simm.s32 $0x0  }
0x19: {  	s11 =	smul.u32 $0x2780, s21;
	s21 =	sadd.s32 $0x33400, s2;
	s22 =	sadd.s32 $0x32C00, s2  }
0x1a: {  	s23 =	sadd.s32 s20, s13;
	s24 =	smax.u32 s17, $0x1;
	s17 =	sshll.u32 s29, $0x4  }
0x1b: {  	s26 =	sadd.s32 s20, s14;
	s28 =	sadd.s32 s20, s15;
	s2 =	simm.s32 $0x80  }
0x1c: {  	s9 =	simm.s32 $0x17C80;
	[smem:$0x7FF] =	sst s16;
	s3 =	sadd.s32 s10, s3  }
0x1d: {  	s18 =	sadd.s32 s10, s8;
	s29 =	sadd.s32 s20, s17;
	s17 =	simm.s32 $0x1  }
0x1e: {  	s8 =	simm.s32 $0x78;
	s10 =	simm.s32 $0x0;
	_ =	strace $0x80000047  }
0x1f: {  	s25 =	sadd.s32 s20, s11;
	s30 =	sadd.s32 $0x1000, s3;
	s3 =	simm.s32 $0x17D00  }
.LBB2_1:
0x20: {  	[tilespmem:s31], [sflag:$0x1] =	stream.linear.gather [hbm4b:s22+s16], $0x4000, $0x38;
	[tilespmem:$0x17D80] =	vst v63  }
0x21: {  	_ =	swait.ge [sflag:s17], $0x4000  }
0x22: {  	[sflag:s17] =	ssyncset.done $0x0  }
0x23: {  	[sflag:s17] =	ssyncadd.s32 $0xFFFFC000  }
0x24: {  	[tilespmem:s0], [sflag:$0x1] =	stream.linear.gather [hbm4b:s4+s16], $0x80, $0x38;
	[tilespmem:$0x17D80] =	vst v63  }
0x25: {  	_ =	swait.ge [sflag:s17], $0x80  }
0x26: {  	[sflag:s17] =	ssyncset.done $0x0  }
0x27: {  	[sflag:s17] =	ssyncadd.s32 $0xFFFFFF80  }
0x28: {  	[spmem:s19] =	stream.indirect.scatter [tilespmem:s31], [sflag:$0x1], $0x80, s0, s2, $0xb8;
	[tilespmem:$0x17D80] =	vst v63  }
0x29: {  	_ =	swait.ge [sflag:s17], $0x4000  }
0x2a: {  	[sflag:s17] =	ssyncset.done $0x0  }
0x2b: {  	[sflag:s17] =	ssyncadd.s32 $0xFFFFC000  }
0x2c: {  	[tilespmem:s0], [sflag:$0x1] =	stream.linear.gather [hbm4b:s5+s16], $0x80, $0x38;
	[tilespmem:$0x17D80] =	vst v63  }
0x2d: {  	_ =	swait.ge [sflag:s17], $0x80  }
0x2e: {  	[sflag:s17] =	ssyncset.done $0x0  }
0x2f: {  	[sflag:s17] =	ssyncadd.s32 $0xFFFFFF80  }
0x30: {  	[spmem:s19] =	stream.indirect.scatter [tilespmem:s31], [sflag:$0x1], $0x80, s0, s2, $0xb8;
	[tilespmem:$0x17D80] =	vst v63  }
0x31: {  	_ =	swait.ge [sflag:s17], $0x4000  }
0x32: {  	[sflag:s17] =	ssyncset.done $0x0  }
0x33: {  	[sflag:s17] =	ssyncadd.s32 $0xFFFFC000  }
0x34: {  	[tilespmem:s0], [sflag:$0x1] =	stream.linear.gather [hbm4b:s6+s16], $0x80, $0x38;
	[tilespmem:$0x17D80] =	vst v63  }
0x35: {  	_ =	swait.ge [sflag:s17], $0x80  }
0x36: {  	[sflag:s17] =	ssyncset.done $0x0  }
0x37: {  	[sflag:s17] =	ssyncadd.s32 $0xFFFFFF80  }
0x38: {  	[spmem:s19] =	stream.indirect.scatter [tilespmem:s31], [sflag:$0x1], $0x80, s0, s2, $0xb8;
	[tilespmem:$0x17D80] =	vst v63  }
0x39: {  	_ =	swait.ge [sflag:s17], $0x4000  }
0x3a: {  	[sflag:s17] =	ssyncset.done $0x0  }
0x3b: {  	[sflag:s17] =	ssyncadd.s32 $0xFFFFC000  }
0x3c: {  	[tilespmem:s0], [sflag:$0x1] =	stream.linear.gather [hbm4b:s7+s16], $0x80, $0x38;
	[tilespmem:$0x17D80] =	vst v63  }
0x3d: {  	_ =	swait.ge [sflag:s17], $0x80  }
0x3e: {  	[sflag:s17] =	ssyncset.done $0x0  }
0x3f: {  	[sflag:s17] =	ssyncadd.s32 $0xFFFFFF80  }
0x40: {  	[spmem:s19] =	stream.indirect.scatter [tilespmem:s31], [sflag:$0x1], $0x80, s0, s2, $0xb8;
	[tilespmem:$0x17D80] =	vst v63  }
0x41: {  	_ =	swait.ge [sflag:s17], $0x4000  }
0x42: {  	[sflag:s17] =	ssyncset.done $0x0  }
0x43: {  	[sflag:s17] =	ssyncadd.s32 $0xFFFFC000  }
0x44: {  	[tilespmem:s3], [sflag:$0x1] =	stream.linear.gather [hbm4b:s1+s16], $0x78, $0x38;
	[tilespmem:$0x17D80] =	vst v63  }
0x45: {  	_ =	swait.ge [sflag:s17], $0x78  }
0x46: {  	[sflag:s17] =	ssyncset.done $0x0  }
0x47: {  	[sflag:s17] =	ssyncadd.s32 $0xFFFFFF88  }
0x48: {  	[spmem:s19] =	stream.indirect.scatter [tilespmem:s31], [sflag:$0x1], $0x80, s3, s8, $0xb8;
	[tilespmem:$0x17D80] =	vst v63  }
0x49: {  	_ =	swait.ge [sflag:s17], $0x3C00  }
0x4a: {  	[sflag:s17] =	ssyncset.done $0x0  }
0x4b: {  	[sflag:s17] =	ssyncadd.s32 $0xFFFFC400  }
0x4c: {  	s11 =	sadd.s32 $0x0, s30;
	[bflag:$0x0] =	sbarrier.arrive $0xFFFF  }
0x4d: {  	[tilespmem:s0], [sflag:$0x1] =	stream.linear.gather [hbm4b:s11+s16], $0x80, $0x38;
	[tilespmem:$0x17D80] =	vst v63  }
0x4e: {  	_ =	swait.ge [sflag:s17], $0x80  }
0x4f: {  	[sflag:s17] =	ssyncset.done $0x0  }
0x50: {  	[sflag:s17] =	ssyncadd.s32 $0xFFFFFF80  }
0x51: {  	[spmem:s19] =	stream.indirect.scatter.add.f32 [tilespmem:s31], [sflag:$0x1], $0x80, s0, s2, $0xb8;
	[tilespmem:$0x17D80] =	vst v63  }
0x52: {  	_ =	swait.ge [sflag:s17], $0x4000  }
0x53: {  	s12 =	simm.s32 $0x20;
	s11 =	simm.s32 $0x10;
	[sflag:s17] =	ssyncset.done $0x0  }
.LBB2_2:
0x54: {  	s13 =	sadd.s32 s11, s30  }
0x55: {  	[sflag:s17] =	ssyncadd.s32 $0xFFFFC000;
	s11 =	smov.u32 s12;
	s14 =	sadd.s32 $0x10, s12  }
0x56: {  	[tilespmem:s0], [sflag:$0x1] =	stream.linear.gather [hbm4b:s13+s16], $0x80, $0x38;
	[tilespmem:$0x17D80] =	vst v63  }
0x57: {  	p2 =	sne.s32 s12, $0x4E0;
	_ =	swait.ge [sflag:s17], $0x80  }
.Ltmp0:
0x58: {  	[sflag:s17] =	ssyncset.done $0x0;
	(pc) =	sbr.rel @p2 .LBB2_2-.Ltmp0, $4  }
0x59: {  	[sflag:s17] =	ssyncadd.s32 $0xFFFFFF80  }
0x5a: {  	[spmem:s19] =	stream.indirect.scatter.add.f32 [tilespmem:s31], [sflag:$0x1], $0x80, s0, s2, $0xb8;
	[tilespmem:$0x17D80] =	vst v63  }
0x5b: {  	_ =	swait.ge [sflag:s17], $0x4000  }
0x5c: {  	s12 =	smov.u32 s14;
	[sflag:s17] =	ssyncset.done $0x0  }
0x5d: {  	s11 =	sadd.s32 s11, s30;
	[sflag:s17] =	ssyncadd.s32 $0xFFFFC000  }
0x5e: {  	[tilespmem:s0], [sflag:$0x1] =	stream.linear.gather [hbm4b:s11+s16], $0x80, $0x38;
	[tilespmem:$0x17D80] =	vst v63  }
0x5f: {  	_ =	swait.ge [sflag:s17], $0x80  }
0x60: {  	[sflag:s17] =	ssyncset.done $0x0  }
0x61: {  	[sflag:s17] =	ssyncadd.s32 $0xFFFFFF80  }
0x62: {  	[spmem:s19] =	stream.indirect.scatter.add.f32 [tilespmem:s31], [sflag:$0x1], $0x80, s0, s2, $0xb8;
	[tilespmem:$0x17D80] =	vst v63  }
0x63: {  	_ =	swait.ge [sflag:s17], $0x4000  }
0x64: {  	[sflag:s17] =	ssyncset.done $0x0  }
0x65: {  	[sflag:s17] =	ssyncadd.s32 $0xFFFFC000  }
0x66: {  	[bflag:$0x0] =	sbarrier.arrive $0xFFFF  }
0x67: {  	[tilespmem:s0], [sflag:$0x1] =	stream.linear.gather [hbm4b:s4+s16], $0x80, $0x38;
	[tilespmem:$0x17D80] =	vst v63  }
0x68: {  	_ =	swait.ge [sflag:s17], $0x80  }
0x69: {  	[sflag:s17] =	ssyncset.done $0x0  }
0x6a: {  	[sflag:s17] =	ssyncadd.s32 $0xFFFFFF80  }
0x6b: {  	[tilespmem:s31], [sflag:$0x1] =	stream.indirect.gather [spmem:s19], $0x80, s0, s2, $0xb8;
	[tilespmem:$0x17D80] =	vst v63  }
0x6c: {  	_ =	swait.ge [sflag:s17], $0x4000  }
0x6d: {  	[sflag:s17] =	ssyncset.done $0x0  }
0x6e: {  	s13 =	rddreg [dreg:$0x6];
	[sflag:s17] =	ssyncadd.s32 $0xFFFFC000  }
0x6f: {  	[hbm4b:s13+s16] =	stream.linear.scatter [tilespmem:s31], [sflag:$0x1], $0x4000, $0x38;
	[tilespmem:$0x17D80] =	vst v63  }
0x70: {  	_ =	swait.ge [sflag:s17], $0x4000  }
0x71: {  	[sflag:s17] =	ssyncset.done $0x0  }
0x72: {  	[sflag:s17] =	ssyncadd.s32 $0xFFFFC000  }
0x73: {  	[tilespmem:s0], [sflag:$0x1] =	stream.linear.gather [hbm4b:s5+s16], $0x80, $0x38;
	[tilespmem:$0x17D80] =	vst v63  }
0x74: {  	_ =	swait.ge [sflag:s17], $0x80  }
0x75: {  	[sflag:s17] =	ssyncset.done $0x0  }
0x76: {  	[sflag:s17] =	ssyncadd.s32 $0xFFFFFF80  }
0x77: {  	[tilespmem:s31], [sflag:$0x1] =	stream.indirect.gather [spmem:s19], $0x80, s0, s2, $0xb8;
	[tilespmem:$0x17D80] =	vst v63  }
0x78: {  	_ =	swait.ge [sflag:s17], $0x4000  }
0x79: {  	[sflag:s17] =	ssyncset.done $0x0  }
0x7a: {  	s14 =	rddreg [dreg:$0x7];
	[sflag:s17] =	ssyncadd.s32 $0xFFFFC000  }
0x7b: {  	[hbm4b:s14+s16] =	stream.linear.scatter [tilespmem:s31], [sflag:$0x1], $0x4000, $0x38;
	[tilespmem:$0x17D80] =	vst v63  }
0x7c: {  	_ =	swait.ge [sflag:s17], $0x4000  }
0x7d: {  	[sflag:s17] =	ssyncset.done $0x0  }
0x7e: {  	[sflag:s17] =	ssyncadd.s32 $0xFFFFC000  }
0x7f: {  	[tilespmem:s0], [sflag:$0x1] =	stream.linear.gather [hbm4b:s6+s16], $0x80, $0x38;
	[tilespmem:$0x17D80] =	vst v63  }
0x80: {  	_ =	swait.ge [sflag:s17], $0x80  }
0x81: {  	[sflag:s17] =	ssyncset.done $0x0  }
0x82: {  	[sflag:s17] =	ssyncadd.s32 $0xFFFFFF80  }
0x83: {  	[tilespmem:s31], [sflag:$0x1] =	stream.indirect.gather [spmem:s19], $0x80, s0, s2, $0xb8;
	[tilespmem:$0x17D80] =	vst v63  }
0x84: {  	_ =	swait.ge [sflag:s17], $0x4000  }
0x85: {  	[sflag:s17] =	ssyncset.done $0x0  }
0x86: {  	s15 =	rddreg [dreg:$0x8];
	[sflag:s17] =	ssyncadd.s32 $0xFFFFC000  }
0x87: {  	[hbm4b:s15+s16] =	stream.linear.scatter [tilespmem:s31], [sflag:$0x1], $0x4000, $0x38;
	[tilespmem:$0x17D80] =	vst v63  }
0x88: {  	_ =	swait.ge [sflag:s17], $0x4000  }
0x89: {  	[sflag:s17] =	ssyncset.done $0x0  }
0x8a: {  	[sflag:s17] =	ssyncadd.s32 $0xFFFFC000  }
0x8b: {  	[tilespmem:s0], [sflag:$0x1] =	stream.linear.gather [hbm4b:s7+s16], $0x80, $0x38;
	[tilespmem:$0x17D80] =	vst v63  }
0x8c: {  	_ =	swait.ge [sflag:s17], $0x80  }
0x8d: {  	[sflag:s17] =	ssyncset.done $0x0  }
0x8e: {  	[sflag:s17] =	ssyncadd.s32 $0xFFFFFF80  }
0x8f: {  	[tilespmem:s31], [sflag:$0x1] =	stream.indirect.gather [spmem:s19], $0x80, s0, s2, $0xb8;
	[tilespmem:$0x17D80] =	vst v63  }
0x90: {  	_ =	swait.ge [sflag:s17], $0x4000  }
0x91: {  	[sflag:s17] =	ssyncset.done $0x0  }
0x92: {  	s12 =	rddreg [dreg:$0x9];
	[sflag:s17] =	ssyncadd.s32 $0xFFFFC000  }
0x93: {  	[hbm4b:s12+s16] =	stream.linear.scatter [tilespmem:s31], [sflag:$0x1], $0x4000, $0x38;
	[tilespmem:$0x17D80] =	vst v63  }
0x94: {  	_ =	swait.ge [sflag:s17], $0x4000  }
0x95: {  	[sflag:s17] =	ssyncset.done $0x0  }
0x96: {  	[sflag:s17] =	ssyncadd.s32 $0xFFFFC000  }
0x97: {  	[tilespmem:s3], [sflag:$0x1] =	stream.linear.gather [hbm4b:s1+s16], $0x78, $0x38;
	[tilespmem:$0x17D80] =	vst v63  }
0x98: {  	_ =	swait.ge [sflag:s17], $0x78  }
0x99: {  	[sflag:s17] =	ssyncset.done $0x0  }
0x9a: {  	[sflag:s17] =	ssyncadd.s32 $0xFFFFFF88  }
0x9b: {  	[tilespmem:s31], [sflag:$0x1] =	stream.indirect.gather [spmem:s19], $0x80, s3, s8, $0xb8;
	[tilespmem:$0x17D80] =	vst v63  }
0x9c: {  	_ =	swait.ge [sflag:s17], $0x3C00  }
0x9d: {  	[sflag:s17] =	ssyncset.done $0x0  }
0x9e: {  	s13 =	rddreg [dreg:$0x4];
	[sflag:s17] =	ssyncadd.s32 $0xFFFFC400  }
0x9f: {  	[hbm4b:s13+s16] =	stream.linear.scatter [tilespmem:s31], [sflag:$0x1], $0x3C00, $0x38;
	[tilespmem:$0x17D80] =	vst v63  }
0xa0: {  	_ =	swait.ge [sflag:s17], $0x3C00  }
0xa1: {  	[sflag:s17] =	ssyncset.done $0x0  }
0xa2: {  	s11 =	simm.s32 @p0 $0x0;
	[sflag:s17] =	ssyncadd.s32 $0xFFFFC400  }
0xa3: {  	s12 =	simm.s32 @p0 $0x17C00;
	s13 =	simm.s32 @p0 $0x1;
	[bflag:$0x0] =	sbarrier.arrive $0xFFFF  }
0xa4: {  	[tilespmem:s12], [sflag:$0x1] =	stream.linear.gather @p0 [hbm4b:s4+s11], $0x80, $0x38;
	[tilespmem:$0x17D80] =	vst v63  }
0xa5: {  	_ =	swait.ge @p0 [sflag:s13], $0x80  }
0xa6: {  	[sflag:s13] =	ssyncset.done @p0 $0x0  }
0xa7: {  	s14 =	simm.s32 @p0 $0x13C00;
	[sflag:s13] =	ssyncadd.s32 @p0 $0xFFFFFF80  }
0xa8: {  	[tilespmem:s14], [sflag:$0x1] =	stream.linear.gather @p0 [hbm4b:s25+s11], $0x4000, $0x38;
	[tilespmem:$0x17D80] =	vst v63  }
0xa9: {  	_ =	swait.ge @p0 [sflag:s13], $0x4000  }
0xaa: {  	[sflag:s13] =	ssyncset.done @p0 $0x0  }
0xab: {  	s15 =	simm.s32 @p0 $0x80;
	[sflag:s13] =	ssyncadd.s32 @p0 $0xFFFFC000  }
0xac: {  	[spmem:s19] =	stream.indirect.scatter @p0 [tilespmem:s14], [sflag:$0x1], $0x80, s12, s15, $0xb8;
	[tilespmem:$0x17D80] =	vst v63  }
0xad: {  	_ =	swait.ge @p0 [sflag:s13], $0x4000  }
0xae: {  	[sflag:s13] =	ssyncset.done @p0 $0x0  }
0xaf: {  	[sflag:s13] =	ssyncadd.s32 @p0 $0xFFFFC000  }
0xb0: {  	[tilespmem:s12], [sflag:$0x1] =	stream.linear.gather @p0 [hbm4b:s5+s11], $0x80, $0x38;
	[tilespmem:$0x17D80] =	vst v63  }
0xb1: {  	_ =	swait.ge @p0 [sflag:s13], $0x80  }
0xb2: {  	[sflag:s13] =	ssyncset.done @p0 $0x0  }
0xb3: {  	[sflag:s13] =	ssyncadd.s32 @p0 $0xFFFFFF80  }
0xb4: {  	[tilespmem:s14], [sflag:$0x1] =	stream.linear.gather @p0 [hbm4b:s26+s11], $0x4000, $0x38;
	[tilespmem:$0x17D80] =	vst v63  }
0xb5: {  	_ =	swait.ge @p0 [sflag:s13], $0x4000  }
0xb6: {  	s12 =	simm.s32 @!p0 $0x13C00;
	[sflag:s13] =	ssyncset.done @p0 $0x0  }
0xb7: {  	s11 =	simm.s32 @!p0 $0x0;
	[sflag:s13] =	ssyncadd.s32 @p0 $0xFFFFC000;
	s13 =	simm.s32 @!p0 $0x1  }
0xb8: {  	[tilespmem:s12], [sflag:$0x1] =	stream.linear.gather @!p0 [hbm4b:s21+s11], $0x4000, $0x38;
	[tilespmem:$0x17D80] =	vst v63  }
0xb9: {  	_ =	swait.ge @!p0 [sflag:s13], $0x4000  }
0xba: {  	[sflag:s13] =	ssyncset.done @!p0 $0x0  }
0xbb: {  	s14 =	simm.s32 @!p0 $0x17C00;
	[sflag:s13] =	ssyncadd.s32 @!p0 $0xFFFFC000  }
0xbc: {  	[tilespmem:s14], [sflag:$0x1] =	stream.linear.gather @!p0 [hbm4b:s4+s11], $0x80, $0x38;
	[tilespmem:$0x17D80] =	vst v63  }
0xbd: {  	_ =	swait.ge @!p0 [sflag:s13], $0x80  }
0xbe: {  	[sflag:s13] =	ssyncset.done @!p0 $0x0  }
0xbf: {  	s15 =	simm.s32 @!p0 $0x80;
	[sflag:s13] =	ssyncadd.s32 @!p0 $0xFFFFFF80  }
0xc0: {  	[spmem:s19] =	stream.indirect.scatter @!p0 [tilespmem:s12], [sflag:$0x1], $0x80, s14, s15, $0xb8;
	[tilespmem:$0x17D80] =	vst v63  }
0xc1: {  	_ =	swait.ge @!p0 [sflag:s13], $0x4000  }
0xc2: {  	[sflag:s13] =	ssyncset.done @!p0 $0x0  }
0xc3: {  	[sflag:s13] =	ssyncadd.s32 @!p0 $0xFFFFC000  }
0xc4: {  	[tilespmem:s14], [sflag:$0x1] =	stream.linear.gather @!p0 [hbm4b:s5+s11], $0x80, $0x38;
	[tilespmem:$0x17D80] =	vst v63  }
0xc5: {  	_ =	swait.ge @!p0 [sflag:s13], $0x80  }
0xc6: {  	[sflag:s13] =	ssyncset.done @!p0 $0x0  }
0xc7: {  	[sflag:s13] =	ssyncadd.s32 @!p0 $0xFFFFFF80  }
0xc8: {  	[spmem:s19] =	stream.indirect.scatter [tilespmem:s31], [sflag:$0x1], $0x80, s0, s2, $0xb8;
	[tilespmem:$0x17D80] =	vst v63  }
0xc9: {  	_ =	swait.ge [sflag:s17], $0x4000  }
0xca: {  	[sflag:s17] =	ssyncset.done $0x0  }
0xcb: {  	[sflag:s17] =	ssyncadd.s32 $0xFFFFC000  }
0xcc: {  	[tilespmem:s0], [sflag:$0x1] =	stream.linear.gather [hbm4b:s6+s16], $0x80, $0x38;
	[tilespmem:$0x17D80] =	vst v63  }
0xcd: {  	_ =	swait.ge [sflag:s17], $0x80  }
0xce: {  	s12 =	simm.s32 @p1 $0x17C00;
	[sflag:s17] =	ssyncset.done $0x0  }
0xcf: {  	s11 =	simm.s32 @p1 $0x80;
	s13 =	simm.s32 @p1 $0x13C00;
	[sflag:s17] =	ssyncadd.s32 $0xFFFFFF80  }
0xd0: {  	[spmem:s19] =	stream.indirect.scatter @p1 [tilespmem:s13], [sflag:$0x1], $0x80, s12, s11, $0xb8;
	[tilespmem:$0x17D80] =	vst v63  }
0xd1: {  	s11 =	simm.s32 @p1 $0x1  }
0xd2: {  	_ =	swait.ge @p1 [sflag:s11], $0x4000  }
0xd3: {  	[sflag:s11] =	ssyncset.done @p1 $0x0  }
0xd4: {  	s13 =	simm.s32 @p1 $0x0;
	[sflag:s11] =	ssyncadd.s32 @p1 $0xFFFFC000  }
0xd5: {  	[tilespmem:s12], [sflag:$0x1] =	stream.linear.gather @p1 [hbm4b:s7+s13], $0x80, $0x38;
	[tilespmem:$0x17D80] =	vst v63  }
0xd6: {  	_ =	swait.ge @p1 [sflag:s11], $0x80  }
0xd7: {  	s12 =	simm.s32 @!p1 $0x13C00;
	[sflag:s11] =	ssyncset.done @p1 $0x0  }
0xd8: {  	s13 =	simm.s32 @!p1 $0x1;
	[sflag:s11] =	ssyncadd.s32 @p1 $0xFFFFFF80;
	s11 =	simm.s32 @!p1 $0x0  }
0xd9: {  	[tilespmem:s12], [sflag:$0x1] =	stream.linear.gather @!p1 [hbm4b:s28+s11], $0x4000, $0x38;
	[tilespmem:$0x17D80] =	vst v63  }
0xda: {  	_ =	swait.ge @!p1 [sflag:s13], $0x4000  }
0xdb: {  	[sflag:s13] =	ssyncset.done @!p1 $0x0  }
0xdc: {  	s15 =	simm.s32 @!p1 $0x17C00;
	s14 =	simm.s32 @!p1 $0x80;
	[sflag:s13] =	ssyncadd.s32 @!p1 $0xFFFFC000  }
0xdd: {  	[spmem:s19] =	stream.indirect.scatter @!p1 [tilespmem:s12], [sflag:$0x1], $0x80, s15, s14, $0xb8;
	[tilespmem:$0x17D80] =	vst v63  }
0xde: {  	_ =	swait.ge @!p1 [sflag:s13], $0x4000  }
0xdf: {  	[sflag:s13] =	ssyncset.done @!p1 $0x0  }
0xe0: {  	[sflag:s13] =	ssyncadd.s32 @!p1 $0xFFFFC000  }
0xe1: {  	[tilespmem:s15], [sflag:$0x1] =	stream.linear.gather @!p1 [hbm4b:s7+s11], $0x80, $0x38;
	[tilespmem:$0x17D80] =	vst v63  }
0xe2: {  	_ =	swait.ge @!p1 [sflag:s13], $0x80  }
0xe3: {  	[sflag:s13] =	ssyncset.done @!p1 $0x0  }
0xe4: {  	[sflag:s13] =	ssyncadd.s32 @!p1 $0xFFFFFF80  }
0xe5: {  	[tilespmem:s12], [sflag:$0x1] =	stream.linear.gather @!p1 [hbm4b:s29+s11], $0x4000, $0x38;
	[tilespmem:$0x17D80] =	vst v63  }
0xe6: {  	_ =	swait.ge @!p1 [sflag:s13], $0x4000  }
0xe7: {  	[sflag:s13] =	ssyncset.done @!p1 $0x0  }
0xe8: {  	[sflag:s13] =	ssyncadd.s32 @!p1 $0xFFFFC000  }
0xe9: {  	[spmem:s19] =	stream.indirect.scatter [tilespmem:s31], [sflag:$0x1], $0x80, s0, s2, $0xb8;
	[tilespmem:$0x17D80] =	vst v63  }
0xea: {  	_ =	swait.ge [sflag:s17], $0x4000  }
0xeb: {  	[sflag:s17] =	ssyncset.done $0x0  }
0xec: {  	[sflag:s17] =	ssyncadd.s32 $0xFFFFC000  }
0xed: {  	[tilespmem:s3], [sflag:$0x1] =	stream.linear.gather [hbm4b:s1+s16], $0x78, $0x38;
	[tilespmem:$0x17D80] =	vst v63  }
0xee: {  	_ =	swait.ge [sflag:s17], $0x78  }
0xef: {  	[sflag:s17] =	ssyncset.done $0x0  }
0xf0: {  	[sflag:s17] =	ssyncadd.s32 $0xFFFFFF88  }
0xf1: {  	[tilespmem:s12], [sflag:$0x1] =	stream.linear.gather @!p1 [hbm4b:s23+s11], $0x3C00, $0x38;
	[tilespmem:$0x17D80] =	vst v63  }
0xf2: {  	_ =	swait.ge @!p1 [sflag:s13], $0x3C00  }
0xf3: {  	[sflag:s13] =	ssyncset.done @!p1 $0x0  }
0xf4: {  	[sflag:s13] =	ssyncadd.s32 @!p1 $0xFFFFC400  }
0xf5: {  	[spmem:s19] =	stream.indirect.scatter [tilespmem:s31], [sflag:$0x1], $0x80, s3, s8, $0xb8;
	[tilespmem:$0x17D80] =	vst v63  }
0xf6: {  	_ =	swait.ge [sflag:s17], $0x3C00  }
0xf7: {  	[sflag:s17] =	ssyncset.done $0x0  }
0xf8: {  	[sflag:s17] =	ssyncadd.s32 $0xFFFFC400  }
0xf9: {  	s14 =	sadd.s32 $0x0, s18;
	[bflag:$0x0] =	sbarrier.arrive $0xFFFF  }
0xfa: {  	[tilespmem:s9], [sflag:$0x1] =	stream.linear.gather [hbm4b:s14+s16], $0x80, $0x38;
	[tilespmem:$0x17D80] =	vst v63  }
0xfb: {  	_ =	swait.ge [sflag:s17], $0x80  }
0xfc: {  	[sflag:s17] =	ssyncset.done $0x0  }
0xfd: {  	s15 =	sadd.s32 $0x0, s30;
	[sflag:s17] =	ssyncadd.s32 $0xFFFFFF80  }
0xfe: {  	[tilespmem:s0], [sflag:$0x1] =	stream.linear.gather [hbm4b:s15+s16], $0x80, $0x38;
	[tilespmem:$0x17D80] =	vst v63  }
0xff: {  	_ =	swait.ge [sflag:s17], $0x80  }
0x100: {  	[sflag:s17] =	ssyncset.done $0x0  }
0x101: {  	[sflag:s17] =	ssyncadd.s32 $0xFFFFFF80  }
0x102: {  	[tilespmem:s31], [sflag:$0x1] =	stream.indirect.gather [hbm4b:s20+s2], $0x80, s9, s2, $0xb8;
	[tilespmem:$0x17D80] =	vst v63  }
0x103: {  	_ =	swait.ge [sflag:s17], $0x4000  }
0x104: {  	[sflag:s17] =	ssyncset.done $0x0  }
0x105: {  	[sflag:s17] =	ssyncadd.s32 $0xFFFFC000  }
0x106: {  	[spmem:s19] =	stream.indirect.scatter.add.f32 [tilespmem:s31], [sflag:$0x1], $0x80, s0, s2, $0xb8;
	[tilespmem:$0x17D80] =	vst v63  }
0x107: {  	_ =	swait.ge [sflag:s17], $0x4000  }
0x108: {  	s11 =	simm.s32 $0x10;
	s12 =	simm.s32 $0x20;
	[sflag:s17] =	ssyncset.done $0x0  }
.LBB2_4:
0x109: {  	s13 =	sadd.s32 s11, s18  }
0x10a: {  	[sflag:s17] =	ssyncadd.s32 $0xFFFFC000;
	s14 =	smov.u32 s12;
	s15 =	sadd.s32 $0x10, s12  }
0x10b: {  	[tilespmem:s9], [sflag:$0x1] =	stream.linear.gather [hbm4b:s13+s16], $0x80, $0x38;
	[tilespmem:$0x17D80] =	vst v63  }
0x10c: {  	p2 =	sne.s32 s12, $0x4E0;
	_ =	swait.ge [sflag:s17], $0x80  }
0x10d: {  	[sflag:s17] =	ssyncset.done $0x0  }
0x10e: {  	s12 =	sadd.s32 s11, s30;
	s11 =	smov.u32 s14;
	[sflag:s17] =	ssyncadd.s32 $0xFFFFFF80  }
0x10f: {  	[tilespmem:s0], [sflag:$0x1] =	stream.linear.gather [hbm4b:s12+s16], $0x80, $0x38;
	[tilespmem:$0x17D80] =	vst v63  }
0x110: {  	_ =	swait.ge [sflag:s17], $0x80  }
0x111: {  	[sflag:s17] =	ssyncset.done $0x0  }
0x112: {  	[sflag:s17] =	ssyncadd.s32 $0xFFFFFF80  }
0x113: {  	[tilespmem:s31], [sflag:$0x1] =	stream.indirect.gather [hbm4b:s20+s2], $0x80, s9, s2, $0xb8;
	[tilespmem:$0x17D80] =	vst v63  }
0x114: {  	_ =	swait.ge [sflag:s17], $0x4000  }
.Ltmp1:
0x115: {  	[sflag:s17] =	ssyncset.done $0x0;
	(pc) =	sbr.rel @p2 .LBB2_4-.Ltmp1, $4  }
0x116: {  	[sflag:s17] =	ssyncadd.s32 $0xFFFFC000  }
0x117: {  	[spmem:s19] =	stream.indirect.scatter.add.f32 [tilespmem:s31], [sflag:$0x1], $0x80, s0, s2, $0xb8;
	[tilespmem:$0x17D80] =	vst v63  }
0x118: {  	_ =	swait.ge [sflag:s17], $0x4000  }
0x119: {  	s12 =	smov.u32 s15;
	[sflag:s17] =	ssyncset.done $0x0  }
0x11a: {  	s12 =	sadd.s32 s11, s18;
	[sflag:s17] =	ssyncadd.s32 $0xFFFFC000  }
0x11b: {  	[tilespmem:s9], [sflag:$0x1] =	stream.linear.gather [hbm4b:s12+s16], $0x80, $0x38;
	[tilespmem:$0x17D80] =	vst v63  }
0x11c: {  	_ =	swait.ge [sflag:s17], $0x80  }
0x11d: {  	[sflag:s17] =	ssyncset.done $0x0  }
0x11e: {  	s14 =	sadd.s32 s11, s30;
	[sflag:s17] =	ssyncadd.s32 $0xFFFFFF80  }
0x11f: {  	[tilespmem:s0], [sflag:$0x1] =	stream.linear.gather [hbm4b:s14+s16], $0x80, $0x38;
	[tilespmem:$0x17D80] =	vst v63  }
0x120: {  	_ =	swait.ge [sflag:s17], $0x80  }
0x121: {  	[sflag:s17] =	ssyncset.done $0x0  }
0x122: {  	[sflag:s17] =	ssyncadd.s32 $0xFFFFFF80  }
0x123: {  	[tilespmem:s31], [sflag:$0x1] =	stream.indirect.gather [hbm4b:s20+s2], $0x80, s9, s2, $0xb8;
	[tilespmem:$0x17D80] =	vst v63  }
0x124: {  	_ =	swait.ge [sflag:s17], $0x4000  }
0x125: {  	[sflag:s17] =	ssyncset.done $0x0  }
0x126: {  	[sflag:s17] =	ssyncadd.s32 $0xFFFFC000  }
0x127: {  	[spmem:s19] =	stream.indirect.scatter.add.f32 [tilespmem:s31], [sflag:$0x1], $0x80, s0, s2, $0xb8;
	[tilespmem:$0x17D80] =	vst v63  }
0x128: {  	_ =	swait.ge [sflag:s17], $0x4000  }
0x129: {  	[sflag:s17] =	ssyncset.done $0x0  }
0x12a: {  	[sflag:s17] =	ssyncadd.s32 $0xFFFFC000  }
0x12b: {  	[bflag:$0x0] =	sbarrier.arrive $0xFFFF  }
0x12c: {  	[tilespmem:s0], [sflag:$0x1] =	stream.linear.gather [hbm4b:s4+s16], $0x80, $0x38;
	[tilespmem:$0x17D80] =	vst v63  }
0x12d: {  	_ =	swait.ge [sflag:s17], $0x80  }
0x12e: {  	[sflag:s17] =	ssyncset.done $0x0  }
0x12f: {  	[sflag:s17] =	ssyncadd.s32 $0xFFFFFF80  }
0x130: {  	[tilespmem:s31], [sflag:$0x1] =	stream.indirect.gather [spmem:s19], $0x80, s0, s2, $0xb8;
	[tilespmem:$0x17D80] =	vst v63  }
0x131: {  	_ =	swait.ge [sflag:s17], $0x4000  }
0x132: {  	[sflag:s17] =	ssyncset.done $0x0  }
0x133: {  	s15 =	rddreg [dreg:$0xa];
	[sflag:s17] =	ssyncadd.s32 $0xFFFFC000  }
0x134: {  	[hbm4b:s15+s16] =	stream.linear.scatter [tilespmem:s31], [sflag:$0x1], $0x4000, $0x38;
	[tilespmem:$0x17D80] =	vst v63  }
0x135: {  	_ =	swait.ge [sflag:s17], $0x4000  }
0x136: {  	[sflag:s17] =	ssyncset.done $0x0  }
0x137: {  	[sflag:s17] =	ssyncadd.s32 $0xFFFFC000  }
0x138: {  	[tilespmem:s0], [sflag:$0x1] =	stream.linear.gather [hbm4b:s5+s16], $0x80, $0x38;
	[tilespmem:$0x17D80] =	vst v63  }
0x139: {  	_ =	swait.ge [sflag:s17], $0x80  }
0x13a: {  	[sflag:s17] =	ssyncset.done $0x0  }
0x13b: {  	[sflag:s17] =	ssyncadd.s32 $0xFFFFFF80  }
0x13c: {  	[tilespmem:s31], [sflag:$0x1] =	stream.indirect.gather [spmem:s19], $0x80, s0, s2, $0xb8;
	[tilespmem:$0x17D80] =	vst v63  }
0x13d: {  	_ =	swait.ge [sflag:s17], $0x4000  }
0x13e: {  	[sflag:s17] =	ssyncset.done $0x0  }
0x13f: {  	s12 =	rddreg [dreg:$0xb];
	[sflag:s17] =	ssyncadd.s32 $0xFFFFC000  }
0x140: {  	[hbm4b:s12+s16] =	stream.linear.scatter [tilespmem:s31], [sflag:$0x1], $0x4000, $0x38;
	[tilespmem:$0x17D80] =	vst v63  }
0x141: {  	_ =	swait.ge [sflag:s17], $0x4000  }
0x142: {  	[sflag:s17] =	ssyncset.done $0x0  }
0x143: {  	[sflag:s17] =	ssyncadd.s32 $0xFFFFC000  }
0x144: {  	[tilespmem:s0], [sflag:$0x1] =	stream.linear.gather [hbm4b:s6+s16], $0x80, $0x38;
	[tilespmem:$0x17D80] =	vst v63  }
0x145: {  	_ =	swait.ge [sflag:s17], $0x80  }
0x146: {  	[sflag:s17] =	ssyncset.done $0x0  }
0x147: {  	[sflag:s17] =	ssyncadd.s32 $0xFFFFFF80  }
0x148: {  	[tilespmem:s31], [sflag:$0x1] =	stream.indirect.gather [spmem:s19], $0x80, s0, s2, $0xb8;
	[tilespmem:$0x17D80] =	vst v63  }
0x149: {  	_ =	swait.ge [sflag:s17], $0x4000  }
0x14a: {  	[sflag:s17] =	ssyncset.done $0x0  }
0x14b: {  	s13 =	rddreg [dreg:$0xc];
	[sflag:s17] =	ssyncadd.s32 $0xFFFFC000  }
0x14c: {  	[hbm4b:s13+s16] =	stream.linear.scatter [tilespmem:s31], [sflag:$0x1], $0x4000, $0x38;
	[tilespmem:$0x17D80] =	vst v63  }
0x14d: {  	_ =	swait.ge [sflag:s17], $0x4000  }
0x14e: {  	[sflag:s17] =	ssyncset.done $0x0  }
0x14f: {  	[sflag:s17] =	ssyncadd.s32 $0xFFFFC000  }
0x150: {  	[tilespmem:s0], [sflag:$0x1] =	stream.linear.gather [hbm4b:s7+s16], $0x80, $0x38;
	[tilespmem:$0x17D80] =	vst v63  }
0x151: {  	_ =	swait.ge [sflag:s17], $0x80  }
0x152: {  	[sflag:s17] =	ssyncset.done $0x0  }
0x153: {  	[sflag:s17] =	ssyncadd.s32 $0xFFFFFF80  }
0x154: {  	[tilespmem:s31], [sflag:$0x1] =	stream.indirect.gather [spmem:s19], $0x80, s0, s2, $0xb8;
	[tilespmem:$0x17D80] =	vst v63  }
0x155: {  	_ =	swait.ge [sflag:s17], $0x4000  }
0x156: {  	[sflag:s17] =	ssyncset.done $0x0  }
0x157: {  	s14 =	rddreg [dreg:$0xd];
	[sflag:s17] =	ssyncadd.s32 $0xFFFFC000  }
0x158: {  	[hbm4b:s14+s16] =	stream.linear.scatter [tilespmem:s31], [sflag:$0x1], $0x4000, $0x38;
	[tilespmem:$0x17D80] =	vst v63  }
0x159: {  	_ =	swait.ge [sflag:s17], $0x4000  }
0x15a: {  	[sflag:s17] =	ssyncset.done $0x0  }
0x15b: {  	[sflag:s17] =	ssyncadd.s32 $0xFFFFC000  }
0x15c: {  	[tilespmem:s3], [sflag:$0x1] =	stream.linear.gather [hbm4b:s1+s16], $0x78, $0x38;
	[tilespmem:$0x17D80] =	vst v63  }
0x15d: {  	_ =	swait.ge [sflag:s17], $0x78  }
0x15e: {  	[sflag:s17] =	ssyncset.done $0x0  }
0x15f: {  	[sflag:s17] =	ssyncadd.s32 $0xFFFFFF88  }
0x160: {  	[tilespmem:s31], [sflag:$0x1] =	stream.indirect.gather [spmem:s19], $0x80, s3, s8, $0xb8;
	[tilespmem:$0x17D80] =	vst v63  }
0x161: {  	s10 =	sadd.s32 $0x1, s10;
	_ =	swait.ge [sflag:s17], $0x3C00  }
0x162: {  	p2 =	sne.s32 s10, s24;
	[sflag:s17] =	ssyncset.done $0x0  }
.Ltmp2:
0x163: {  	s15 =	rddreg [dreg:$0x5];
	[sflag:s17] =	ssyncadd.s32 $0xFFFFC400;
	(pc) =	sbr.rel @p2 .LBB2_1-.Ltmp2, $4  }
0x164: {  	[hbm4b:s15+s16] =	stream.linear.scatter [tilespmem:s31], [sflag:$0x1], $0x3C00, $0x38;
	[tilespmem:$0x17D80] =	vst v63  }
0x165: {  	_ =	swait.ge [sflag:s17], $0x3C00  }
0x166: {  	[sflag:s17] =	ssyncset.done $0x0  }
0x167: {  	[sflag:s17] =	ssyncadd.s32 $0xFFFFC400  }
0x168: {  	_ =	sfence.sel $0x180000  }
0x169: {  	[bflag:$0x0] =	sbarrier.arrive $0xFFFF  }
0x16a: {  	_ =	strace $0x90000047  }
0x16b: {  	s0 =	stileid.u32;
	[bflag:$0x2] =	sbarrier.arrive $0xFFFF  }
0x16c: {  	p0 =	sne.s32 s0, $0x0;
	s0 =	rddreg [dreg:$0x3]  }
0x16d: {  	s0 =	sadd.s32 @!p0 $0x100000, s0  }
0x16e: {  	[sflag:s0] =	ssyncadd.tile.s32 @!p0 $0x1;
	_ =	shalt  }
.Lfunc_end2:
_tile_overlayer_lowered:
.L_overlay_start_2:
0x16f: {  	(tag) =	ssettag $0x2  }
0x170: {  	s0 =	rddreg [dreg:$0x0];
	s2 =	stileid.u32  }
0x171: {  	s1 =	rddreg [dreg:$0x1];
	p0 =	sne.s32 s2, $0x0  }
0x172: {  	s3 =	rddreg [dreg:$0x2];
	[bflag:$0x3] =	sbarrier.arrive $0xFFFF;
	s2 =	simm.s32 @!p0 $0x1C01  }
0x173: {  	[timem:s3], [sflag:s2] =	dma.local @!p0 [hbm:s0], s1  }
0x174: {  	s0 =	simm.s32 @!p0 $0x1  }
0x175: {  	_ =	swait.ge @!p0 [sflag:s0], s1  }
0x176: {  	s1 =	ssub.s32 @!p0 $0x0, s1;
	[sflag:s0] =	ssyncset.done @!p0 $0x0  }
0x177: {  	[sflag:s0] =	ssyncadd.s32 @!p0 s1  }
0x178: {  	[bflag:$0x3] =	sbarrier.arrive $0xFFFF  }
0x179: {  	_ =	shalt  }

</sc_bundles>
